<compile_context>
chip_gen: v7x
topology: tpu7x:2x2x1
jax: 0.10.2.dev20260603
libtpu: 0.0.44.dev20260713+nightly
codegen_flags: <defaults>
</compile_context>

<pallas_src>
import functools

import jax
import jax.numpy as jnp
from jax import lax
from jax.experimental import pallas as pl
from jax.experimental.pallas import tpu as pltpu
from jax.experimental.pallas import tpu_sc as plsc

NC = 2
NS = 16
K = 96
NBUF = 2
BN = 2000


def _seg_sum_body(with_count, n, npad, e, d, *refs):
    if with_count:
        (x_hbm, src_hbm, dst3_hbm, zeros_nd, zeros_n, ones_k,
         out_hbm, cnt_hbm,
         src_all, dst_all, ones_v, accum, cnt_acc,
         *bufsems) = refs
        rows = bufsems[:NBUF]
        gsems = bufsems[NBUF:]
    else:
        (x_hbm, src_hbm, dst3_hbm, zeros_nd,
         out_hbm,
         src_all, dst_all, accum,
         *bufsems) = refs
        rows = bufsems[:NBUF]
        gsems = bufsems[NBUF:]

    c = lax.axis_index("c")
    s = lax.axis_index("s")

    edges_per_core = e // NC
    per_sub = edges_per_core // NS
    chunks = per_sub // K
    rows_per_sub = npad // NS
    base = c * edges_per_core + s * per_sub

    r0 = s * rows_per_sub
    zero_desc = pltpu.make_async_copy(zeros_nd.at[pl.ds(r0, rows_per_sub)],
                                      accum.at[pl.ds(r0, rows_per_sub)],
                                      gsems[0])
    zero_desc.start()
    pltpu.sync_copy(src_hbm.at[pl.ds(pl.multiple_of(base, 8), per_sub)],
                    src_all)
    pltpu.sync_copy(dst3_hbm.at[pl.ds(base // K, chunks)], dst_all)
    if with_count:
        @pl.when(s == 0)
        def _():
            pltpu.sync_copy(zeros_n, cnt_acc)
        pltpu.sync_copy(ones_k, ones_v)
    zero_desc.wait()
    plsc.subcore_barrier()

    def gather(i, b):
        idx = src_all.at[pl.ds(pl.multiple_of(i * K, 8), K)]
        pltpu.async_copy(x_hbm.at[idx], rows[b], gsems[b])

    def wait_gather(i, b):
        idx = src_all.at[pl.ds(pl.multiple_of(i * K, 8), K)]
        pltpu.make_async_copy(x_hbm.at[idx], rows[b], gsems[b]).wait()

    def scatter(i, b):
        didx = dst_all.at[i, 0]
        pltpu.sync_copy(rows[b], accum.at[didx], add=True)
        if with_count:
            pltpu.sync_copy(ones_v, cnt_acc.at[didx], add=True)

    gather(0, 0)

    def outer(j, carry):
        gather(2 * j + 1, 1)
        wait_gather(2 * j, 0)
        scatter(2 * j, 0)
        gather(2 * j + 2, 0)
        wait_gather(2 * j + 1, 1)
        scatter(2 * j + 1, 1)
        return carry

    lax.fori_loop(0, (chunks - 1) // 2, outer, 0)
    if chunks % 2 == 1:
        wait_gather(chunks - 1, 0)
        scatter(chunks - 1, 0)
    else:
        gather(chunks - 1, 1)
        wait_gather(chunks - 2, 0)
        scatter(chunks - 2, 0)
        wait_gather(chunks - 1, 1)
        scatter(chunks - 1, 1)

    plsc.subcore_barrier()
    pltpu.sync_copy(accum.at[pl.ds(r0, rows_per_sub)],
                    out_hbm.at[c, pl.ds(r0, rows_per_sub)])
    if with_count:
        @pl.when(s == 0)
        def _():
            pltpu.sync_copy(cnt_acc, cnt_hbm.at[c, 0])


@functools.lru_cache(maxsize=None)
def _make_seg_sum(n, npad, e, d, with_count):
    assert e % (NC * NS * K) == 0 and npad % (NS * 8) == 0
    per_sub = e // (NC * NS)
    chunks = per_sub // K
    mesh = plsc.VectorSubcoreMesh(core_axis_name="c", subcore_axis_name="s",
                                  num_cores=NC, num_subcores=NS)
    out_type = [jax.ShapeDtypeStruct((NC, npad, d), jnp.float32)]
    scratch = [
        pltpu.VMEM((per_sub,), jnp.int32),
        pltpu.VMEM((chunks, 1, K), jnp.int32),
    ]
    if with_count:
        out_type.append(jax.ShapeDtypeStruct((NC, 1, npad), jnp.float32))
        scratch.append(pltpu.VMEM((K,), jnp.float32))
    scratch.append(pltpu.VMEM_SHARED((npad, d), jnp.float32))
    if with_count:
        scratch.append(pltpu.VMEM_SHARED((npad,), jnp.float32))
    scratch += [pltpu.VMEM((K, d), jnp.float32)] * NBUF
    scratch += [pltpu.SemaphoreType.DMA] * NBUF
    return pl.kernel(
        functools.partial(_seg_sum_body, with_count, n, npad, e, d),
        out_type=out_type if with_count else out_type[0],
        mesh=mesh,
        scratch_types=scratch,
    )


def _tc_layer_body(act, sums_ref, cnt_ref, x_ref, wl_ref, wr_ref, out_ref):
    ssum = sums_ref[0] + sums_ref[1]
    cnt = cnt_ref[0, 0, 0, :] + cnt_ref[1, 0, 0, :]
    inv = 1.0 / jnp.maximum(cnt, 1.0)
    mean = ssum * inv[:, None]
    z = lax.dot_general(mean, wl_ref[...], (((1,), (1,)), ((), ())),
                        preferred_element_type=jnp.float32)
    z = z + lax.dot_general(x_ref[...], wr_ref[...], (((1,), (1,)), ((), ())),
                            preferred_element_type=jnp.float32)
    if act == "relu":
        out_ref[...] = jnp.maximum(z, 0.0)
    else:
        m = jnp.max(z, axis=1, keepdims=True)
        out_ref[...] = (z - m) - jnp.log(
            jnp.sum(jnp.exp(z - m), axis=1, keepdims=True))


@functools.lru_cache(maxsize=None)
def _make_tc_layer(n, npad, d, act):
    assert n % BN == 0
    nb = n // BN
    return pl.pallas_call(
        functools.partial(_tc_layer_body, act),
        grid=(nb,),
        in_specs=[
            pl.BlockSpec((NC, BN, d), lambda i: (0, i, 0)),
            pl.BlockSpec((NC, 1, 1, BN), lambda i: (0, i, 0, 0)),
            pl.BlockSpec((BN, d), lambda i: (i, 0)),
            pl.BlockSpec((d, d), lambda i: (0, 0)),
            pl.BlockSpec((d, d), lambda i: (0, 0)),
        ],
        out_specs=pl.BlockSpec((BN, d), lambda i: (i, 0)),
        out_shape=jax.ShapeDtypeStruct((n, d), jnp.float32),
    )


def kernel(x, edge_index, Wl1, Wr1, Wl2, Wr2):
    x = x.astype(jnp.float32)
    n, d = x.shape
    e = edge_index.shape[1]
    npad = ((n + NS * 8 - 1) // (NS * 8)) * NS * 8
    grain = NC * NS * K
    ep = ((e + grain - 1) // grain) * grain
    src = jnp.concatenate(
        [edge_index[0], jnp.arange(ep - e, dtype=jnp.int32) % n])
    dummy_dst = n + jnp.arange(ep - e, dtype=jnp.int32) % max(npad - n, 1)
    dst3 = jnp.concatenate(
        [edge_index[1], dummy_dst]).reshape(ep // K, 1, K)
    zeros_nd = jnp.zeros((npad, d), jnp.float32)
    zeros_n = jnp.zeros((npad,), jnp.float32)
    ones_k = jnp.ones((K,), jnp.float32)

    sums1, cnt = _make_seg_sum(n, npad, ep, d, True)(
        x, src, dst3, zeros_nd, zeros_n, ones_k)
    cnt4 = cnt[:, 0, :n].reshape(NC, n // BN, 1, BN)
    h = _make_tc_layer(n, npad, d, "relu")(sums1, cnt4, x, Wl1, Wr1)
    sums2 = _make_seg_sum(n, npad, ep, d, False)(h, src, dst3, zeros_nd)
    out = _make_tc_layer(n, npad, d, "logsoftmax")(sums2, cnt4, h, Wl2, Wr2)
    return out

# --- scband reference (transcript-rebuilt; emitter-appended) ---
"""Pipeline reference for scband-sage-5282809775001 (READ-ONLY COPY).

The authoritative reference and input builder live on the scoring server;
editing this copy changes nothing except your own understanding.
"""

import jax, jax.numpy as jnp
import numpy as np

N = 10000
E = 320000
D = 128


def setup_inputs(seed: int = 0) -> dict:
    key = jax.random.key(seed)
    ks = jax.random.split(key, 7)
    x = jax.random.normal(ks[0], (N, D), dtype=jnp.float32)
    edge_index = jax.random.randint(ks[1], (2, E), 0, N, dtype=jnp.int32)
    gain = float(np.sqrt(2.0))  # relu gain for xavier_uniform
    def xavier(k, fan_out, fan_in):
        limit = gain * np.sqrt(6.0 / (fan_in + fan_out))
        return jax.random.uniform(k, (fan_out, fan_in), dtype=jnp.float32, minval=-limit, maxval=limit)
    Wl1 = xavier(ks[2], D, D)
    Wr1 = xavier(ks[3], D, D)
    Wl2 = xavier(ks[4], D, D)
    Wr2 = xavier(ks[5], D, D)
    return {"x": x, "edge_index": edge_index, "Wl1": Wl1, "Wr1": Wr1, "Wl2": Wl2, "Wr2": Wr2}


def _sage_conv(x, edge_index, Wl, Wr):
    # PyG SAGEConv (aggr='mean', bias=False): out = lin_l(mean_j x_j) + lin_r(x)
    src = edge_index[0]
    dst = edge_index[1]
    n = x.shape[0]
    msg = jnp.take(x, src, axis=0)
    summed = jax.ops.segment_sum(msg, dst, num_segments=n)
    cnt = jax.ops.segment_sum(jnp.ones((msg.shape[0],), dtype=x.dtype), dst, num_segments=n)
    mean = summed / jnp.clip(cnt, 1.0, None)[:, None]
    return mean @ Wl.T + x @ Wr.T


def reference(x, edge_index, Wl1, Wr1, Wl2, Wr2):
    x = x.astype(jnp.float32)
    h = _sage_conv(x, edge_index, Wl1, Wr1)
    h = jax.nn.relu(h)
    # dropout is identity in eval mode
    out = _sage_conv(h, edge_index, Wl2, Wr2)
    return jax.nn.log_softmax(out, axis=-1)

if __name__ == "__main__":
    import jax
    _d = setup_inputs()
    print(jax.jit(kernel)(*tuple(_d.values())))

</pallas_src>

<mosaic_0001>
#map = affine_map<(d0, d1) -> (0, 0)>
#map1 = affine_map<(d0, d1) -> (0)>
#map2 = affine_map<(d0, d1) -> (0, 0, 0)>
module attributes {stable_mosaic.version = 14 : i64} {
  func.func @_seg_sum_body(%arg0: i32, %arg1: i32, %arg2: memref<10000x128xf32, #tpu.memory_space<hbm>>, %arg3: memref<322560xi32, #tpu.memory_space<hbm>>, %arg4: memref<3360x1x96xi32, #tpu.memory_space<hbm>>, %arg5: memref<10112x128xf32, #tpu.memory_space<hbm>>, %arg6: memref<2x10112x128xf32, #tpu.memory_space<hbm>>, %arg7: memref<10080xi32, #tpu.memory_space<vmem>>, %arg8: memref<105x1x96xi32, #tpu.memory_space<vmem>>, %arg9: memref<10112x128xf32, #tpu.memory_space<vmem_shared>>, %arg10: memref<96x128xf32, #tpu.memory_space<vmem>>, %arg11: memref<96x128xf32, #tpu.memory_space<vmem>>, %arg12: memref<!tpu.dma_semaphore, #tpu.memory_space<semaphore_mem>>, %arg13: memref<!tpu.dma_semaphore, #tpu.memory_space<semaphore_mem>>) attributes {dimension_semantics = [#tpu.dimension_semantics<core_parallel>, #tpu.dimension_semantics<subcore_parallel>], iteration_bounds = array<i64: 2, 16>, scalar_prefetch = 0 : i64, scratch_operands = 7 : i64, tpu.core_type = #tpu.core_type<sc_vector_subcore>, window_params = [{transform_indices = #map}, {transform_indices = #map1}, {transform_indices = #map2}, {transform_indices = #map}, {transform_indices = #map2}]} {
    %mul3A = arith.constant 161280 : i32
    %mul3A_0 = arith.muli %arg0, %mul3A : i32
    %mul3A_1 = arith.constant 10080 : i32
    %mul3A_2 = arith.muli %arg1, %mul3A_1 : i32
    %add3A = arith.addi %mul3A_0, %mul3A_2 : i32
    %mul3A_3 = arith.constant 632 : i32
    %mul3A_4 = arith.muli %arg1, %mul3A_3 : i32
    %dma_start3A = arith.constant 0 : i32
    %dma_start3A_5 = tpu.memref_slice %arg9[%mul3A_4, %dma_start3A] : memref<10112x128xf32, #tpu.memory_space<vmem_shared>> -> memref<632x128xf32, #tpu.memory_space<vmem_shared>>
    %dma_start3A_6 = arith.constant 0 : i32
    %dma_start3A_7 = tpu.memref_slice %arg5[%mul3A_4, %dma_start3A_6] : memref<10112x128xf32, #tpu.memory_space<hbm>> -> memref<632x128xf32, #tpu.memory_space<hbm>>
    tpu.enqueue_dma source(%dma_start3A_7 : memref<632x128xf32, #tpu.memory_space<hbm>>) target(%dma_start3A_5 : memref<632x128xf32, #tpu.memory_space<vmem_shared>>) target_semaphore(%arg12 : memref<!tpu.dma_semaphore, #tpu.memory_space<semaphore_mem>>)
    %multiple_of3A = tpu.assume_multiple %add3A, 8 : i32
    "tpu.region"() ({
      %run_scoped3A_46 = tpu.sem_alloc : memref<!tpu.dma_semaphore, #tpu.memory_space<semaphore_mem>>
      %dma_start3A_47 = tpu.memref_slice %arg3[%multiple_of3A] : memref<322560xi32, #tpu.memory_space<hbm>> -> memref<10080xi32, #tpu.memory_space<hbm>>
      %dma_start3A_48 = tpu.memref_slice %arg3[%multiple_of3A] : memref<322560xi32, #tpu.memory_space<hbm>> -> memref<10080xi32, #tpu.memory_space<hbm>>
      tpu.enqueue_dma source(%dma_start3A_48 : memref<10080xi32, #tpu.memory_space<hbm>>) target(%arg7 : memref<10080xi32, #tpu.memory_space<vmem>>) target_semaphore(%run_scoped3A_46 : memref<!tpu.dma_semaphore, #tpu.memory_space<semaphore_mem>>)
      %dma_wait3A_49 = tpu.memref_slice %arg3[%multiple_of3A] : memref<322560xi32, #tpu.memory_space<hbm>> -> memref<10080xi32, #tpu.memory_space<hbm>>
      %dma_wait3A_50 = tpu.memref_slice %arg3[%multiple_of3A] : memref<322560xi32, #tpu.memory_space<hbm>> -> memref<10080xi32, #tpu.memory_space<hbm>>
      tpu.wait_dma2 semaphore(%run_scoped3A_46 : memref<!tpu.dma_semaphore, #tpu.memory_space<semaphore_mem>>) src(%dma_wait3A_50 : memref<10080xi32, #tpu.memory_space<hbm>>) dst(%arg7 : memref<10080xi32, #tpu.memory_space<vmem>>)
      tpu.yield
    }) : () -> ()
    %jit3A = arith.constant 96 : i32
    %div3A = arith.divsi %add3A, %jit3A : i32
    %sign3A = arith.constant 0 : i32
    %sign3A_8 = arith.cmpi sgt, %add3A, %sign3A : i32
    %sign3A_9 = arith.extui %sign3A_8 : i1 to i32
    %sign3A_10 = arith.constant 0 : i32
    %sign3A_11 = arith.cmpi slt, %add3A, %sign3A_10 : i32
    %sign3A_12 = arith.extui %sign3A_11 : i1 to i32
    %sign3A_13 = arith.subi %sign3A_9, %sign3A_12 : i32
    %sign3A_14 = arith.constant 0 : i32
    %sign3A_15 = arith.cmpi sgt, %jit3A, %sign3A_14 : i32
    %sign3A_16 = arith.extui %sign3A_15 : i1 to i32
    %sign3A_17 = arith.constant 0 : i32
    %sign3A_18 = arith.cmpi slt, %jit3A, %sign3A_17 : i32
    %sign3A_19 = arith.extui %sign3A_18 : i1 to i32
    %sign3A_20 = arith.subi %sign3A_16, %sign3A_19 : i32
    %ne3A = arith.cmpi ne, %sign3A_13, %sign3A_20 : i32
    %rem3A = arith.remsi %add3A, %jit3A : i32
    %ne3A_21 = arith.constant 0 : i32
    %ne3A_22 = arith.cmpi ne, %rem3A, %ne3A_21 : i32
    %and3A = arith.andi %ne3A, %ne3A_22 : i1
    %sub3A = arith.constant 1 : i32
    %sub3A_23 = arith.subi %div3A, %sub3A : i32
    %select_n3A = arith.select %and3A, %sub3A_23, %div3A : i32
    "tpu.region"() ({
      %run_scoped3A_46 = tpu.sem_alloc : memref<!tpu.dma_semaphore, #tpu.memory_space<semaphore_mem>>
      %dma_start3A_47 = arith.constant 0 : i32
      %dma_start3A_48 = arith.constant 0 : i32
      %dma_start3A_49 = tpu.memref_slice %arg4[%select_n3A, %dma_start3A_47, %dma_start3A_48] : memref<3360x1x96xi32, #tpu.memory_space<hbm>> -> memref<105x1x96xi32, #tpu.memory_space<hbm>>
      %dma_start3A_50 = arith.constant 0 : i32
      %dma_start3A_51 = arith.constant 0 : i32
      %dma_start3A_52 = tpu.memref_slice %arg4[%select_n3A, %dma_start3A_50, %dma_start3A_51] : memref<3360x1x96xi32, #tpu.memory_space<hbm>> -> memref<105x1x96xi32, #tpu.memory_space<hbm>>
      tpu.enqueue_dma source(%dma_start3A_52 : memref<105x1x96xi32, #tpu.memory_space<hbm>>) target(%arg8 : memref<105x1x96xi32, #tpu.memory_space<vmem>>) target_semaphore(%run_scoped3A_46 : memref<!tpu.dma_semaphore, #tpu.memory_space<semaphore_mem>>)
      %dma_wait3A_53 = arith.constant 0 : i32
      %dma_wait3A_54 = arith.constant 0 : i32
      %dma_wait3A_55 = tpu.memref_slice %arg4[%select_n3A, %dma_wait3A_53, %dma_wait3A_54] : memref<3360x1x96xi32, #tpu.memory_space<hbm>> -> memref<105x1x96xi32, #tpu.memory_space<hbm>>
      %dma_wait3A_56 = arith.constant 0 : i32
      %dma_wait3A_57 = arith.constant 0 : i32
      %dma_wait3A_58 = tpu.memref_slice %arg4[%select_n3A, %dma_wait3A_56, %dma_wait3A_57] : memref<3360x1x96xi32, #tpu.memory_space<hbm>> -> memref<105x1x96xi32, #tpu.memory_space<hbm>>
      tpu.wait_dma2 semaphore(%run_scoped3A_46 : memref<!tpu.dma_semaphore, #tpu.memory_space<semaphore_mem>>) src(%dma_wait3A_58 : memref<105x1x96xi32, #tpu.memory_space<hbm>>) dst(%arg8 : memref<105x1x96xi32, #tpu.memory_space<vmem>>)
      tpu.yield
    }) : () -> ()
    %dma_wait3A = arith.constant 0 : i32
    %dma_wait3A_24 = tpu.memref_slice %arg9[%mul3A_4, %dma_wait3A] : memref<10112x128xf32, #tpu.memory_space<vmem_shared>> -> memref<632x128xf32, #tpu.memory_space<vmem_shared>>
    %dma_wait3A_25 = arith.constant 0 : i32
    %dma_wait3A_26 = tpu.memref_slice %arg5[%mul3A_4, %dma_wait3A_25] : memref<10112x128xf32, #tpu.memory_space<hbm>> -> memref<632x128xf32, #tpu.memory_space<hbm>>
    tpu.wait_dma2 semaphore(%arg12 : memref<!tpu.dma_semaphore, #tpu.memory_space<semaphore_mem>>) src(%dma_wait3A_26 : memref<632x128xf32, #tpu.memory_space<hbm>>) dst(%dma_wait3A_24 : memref<632x128xf32, #tpu.memory_space<vmem_shared>>)
    %barrier3A = arith.constant 0 : index
    tpu.barrier barrier_id(%barrier3A)
    %multiple_of3A_27 = arith.constant 0 : i32
    %multiple_of3A_28 = tpu.assume_multiple %multiple_of3A_27, 8 : i32
    %dma_start3A_29 = tpu.memref_slice %arg7[%multiple_of3A_28] : memref<10080xi32, #tpu.memory_space<vmem>> -> memref<96xi32, #tpu.memory_space<vmem>>
    %dma_start3A_30 = arith.constant 0 : i32
    %dma_start3A_31 = arith.constant 0 : i32
    %dma_start3A_32 = tpu.memref_slice %arg2[%dma_start3A_30, %dma_start3A_31] : memref<10000x128xf32, #tpu.memory_space<hbm>> -> memref<10000x128xf32, #tpu.memory_space<hbm>>
    tpu.enqueue_indirect_dma source(%dma_start3A_32 : memref<10000x128xf32, #tpu.memory_space<hbm>>) target(%arg10 : memref<96x128xf32, #tpu.memory_space<vmem>>) offsets(%dma_start3A_29 : memref<96xi32, #tpu.memory_space<vmem>>) semaphore(%arg12 : memref<!tpu.dma_semaphore, #tpu.memory_space<semaphore_mem>>)
    %scan3A = arith.constant 0 : i32
    %scan3A_33 = arith.constant 0 : i32
    %scan3A_34 = arith.constant 52 : i32
    %scan3A_35 = arith.addi %scan3A_33, %scan3A_34 : i32
    %scan3A_36 = arith.constant 1 : i32
    scf.for %scan3A_46 = %scan3A_33 to %scan3A_35 step %scan3A_36  : i32 {
      %mul3A_47 = arith.constant 2 : i32
      %mul3A_48 = arith.muli %mul3A_47, %scan3A_46 : i32
      %add3A_49 = arith.constant 1 : i32
      %add3A_50 = arith.addi %mul3A_48, %add3A_49 : i32
      %mul3A_51 = arith.constant 96 : i32
      %mul3A_52 = arith.muli %add3A_50, %mul3A_51 : i32
      %multiple_of3A_53 = tpu.assume_multiple %mul3A_52, 8 : i32
      %dma_start3A_54 = tpu.memref_slice %arg7[%multiple_of3A_53] : memref<10080xi32, #tpu.memory_space<vmem>> -> memref<96xi32, #tpu.memory_space<vmem>>
      %dma_start3A_55 = arith.constant 0 : i32
      %dma_start3A_56 = arith.constant 0 : i32
      %dma_start3A_57 = tpu.memref_slice %arg2[%dma_start3A_55, %dma_start3A_56] : memref<10000x128xf32, #tpu.memory_space<hbm>> -> memref<10000x128xf32, #tpu.memory_space<hbm>>
      tpu.enqueue_indirect_dma source(%dma_start3A_57 : memref<10000x128xf32, #tpu.memory_space<hbm>>) target(%arg11 : memref<96x128xf32, #tpu.memory_space<vmem>>) offsets(%dma_start3A_54 : memref<96xi32, #tpu.memory_space<vmem>>) semaphore(%arg13 : memref<!tpu.dma_semaphore, #tpu.memory_space<semaphore_mem>>)
      %mul3A_58 = arith.constant 2 : i32
      %mul3A_59 = arith.muli %mul3A_58, %scan3A_46 : i32
      %mul3A_60 = arith.constant 96 : i32
      %mul3A_61 = arith.muli %mul3A_59, %mul3A_60 : i32
      %multiple_of3A_62 = tpu.assume_multiple %mul3A_61, 8 : i32
      %dma_wait3A_63 = tpu.memref_slice %arg7[%multiple_of3A_62] : memref<10080xi32, #tpu.memory_space<vmem>> -> memref<96xi32, #tpu.memory_space<vmem>>
      %dma_wait3A_64 = arith.constant 0 : i32
      %dma_wait3A_65 = arith.constant 0 : i32
      %dma_wait3A_66 = tpu.memref_slice %arg2[%dma_wait3A_64, %dma_wait3A_65] : memref<10000x128xf32, #tpu.memory_space<hbm>> -> memref<10000x128xf32, #tpu.memory_space<hbm>>
      tpu.wait_indirect_dma semaphore(%arg12 : memref<!tpu.dma_semaphore, #tpu.memory_space<semaphore_mem>>) src(%dma_wait3A_66 : memref<10000x128xf32, #tpu.memory_space<hbm>>) dst(%arg10 : memref<96x128xf32, #tpu.memory_space<vmem>>)
      %mul3A_67 = arith.constant 2 : i32
      %mul3A_68 = arith.muli %mul3A_67, %scan3A_46 : i32
      %run_scoped3A_69 = arith.constant 0 : i32
      "tpu.region"() ({
        %run_scoped3A_97 = tpu.sem_alloc : memref<!tpu.dma_semaphore, #tpu.memory_space<semaphore_mem>>
        %dma_start3A_98 = arith.constant 0 : i32
        %dma_start3A_99 = tpu.memref_slice %arg8[%mul3A_68, %run_scoped3A_69, %dma_start3A_98] : memref<105x1x96xi32, #tpu.memory_space<vmem>> -> memref<1x1x96xi32, #tpu.memory_space<vmem>>
        %dma_start3A_100 = tpu.memref_squeeze %dma_start3A_99 : memref<1x1x96xi32, #tpu.memory_space<vmem>> -> memref<96xi32, #tpu.memory_space<vmem>>
        %dma_start3A_101 = arith.constant 0 : i32
        %dma_start3A_102 = arith.constant 0 : i32
        %dma_start3A_103 = tpu.memref_slice %arg9[%dma_start3A_101, %dma_start3A_102] : memref<10112x128xf32, #tpu.memory_space<vmem_shared>> -> memref<10112x128xf32, #tpu.memory_space<vmem_shared>>
        tpu.enqueue_indirect_dma source(%arg10 : memref<96x128xf32, #tpu.memory_space<vmem>>) target(%dma_start3A_103 : memref<10112x128xf32, #tpu.memory_space<vmem_shared>>) offsets(%dma_start3A_100 : memref<96xi32, #tpu.memory_space<vmem>>) semaphore(%run_scoped3A_97 : memref<!tpu.dma_semaphore, #tpu.memory_space<semaphore_mem>>) {add = true}
        %dma_wait3A_104 = arith.constant 0 : i32
        %dma_wait3A_105 = tpu.memref_slice %arg8[%mul3A_68, %run_scoped3A_69, %dma_wait3A_104] : memref<105x1x96xi32, #tpu.memory_space<vmem>> -> memref<1x1x96xi32, #tpu.memory_space<vmem>>
        %dma_wait3A_106 = tpu.memref_squeeze %dma_wait3A_105 : memref<1x1x96xi32, #tpu.memory_space<vmem>> -> memref<96xi32, #tpu.memory_space<vmem>>
        %dma_wait3A_107 = arith.constant 0 : i32
        %dma_wait3A_108 = arith.constant 0 : i32
        %dma_wait3A_109 = tpu.memref_slice %arg9[%dma_wait3A_107, %dma_wait3A_108] : memref<10112x128xf32, #tpu.memory_space<vmem_shared>> -> memref<10112x128xf32, #tpu.memory_space<vmem_shared>>
        tpu.wait_indirect_dma semaphore(%run_scoped3A_97 : memref<!tpu.dma_semaphore, #tpu.memory_space<semaphore_mem>>) src(%arg10 : memref<96x128xf32, #tpu.memory_space<vmem>>) dst(%dma_wait3A_109 : memref<10112x128xf32, #tpu.memory_space<vmem_shared>>)
        tpu.yield
      }) : () -> ()
      %mul3A_70 = arith.constant 2 : i32
      %mul3A_71 = arith.muli %mul3A_70, %scan3A_46 : i32
      %add3A_72 = arith.constant 2 : i32
      %add3A_73 = arith.addi %mul3A_71, %add3A_72 : i32
      %mul3A_74 = arith.constant 96 : i32
      %mul3A_75 = arith.muli %add3A_73, %mul3A_74 : i32
      %multiple_of3A_76 = tpu.assume_multiple %mul3A_75, 8 : i32
      %dma_start3A_77 = tpu.memref_slice %arg7[%multiple_of3A_76] : memref<10080xi32, #tpu.memory_space<vmem>> -> memref<96xi32, #tpu.memory_space<vmem>>
      %dma_start3A_78 = arith.constant 0 : i32
      %dma_start3A_79 = arith.constant 0 : i32
      %dma_start3A_80 = tpu.memref_slice %arg2[%dma_start3A_78, %dma_start3A_79] : memref<10000x128xf32, #tpu.memory_space<hbm>> -> memref<10000x128xf32, #tpu.memory_space<hbm>>
      tpu.enqueue_indirect_dma source(%dma_start3A_80 : memref<10000x128xf32, #tpu.memory_space<hbm>>) target(%arg10 : memref<96x128xf32, #tpu.memory_space<vmem>>) offsets(%dma_start3A_77 : memref<96xi32, #tpu.memory_space<vmem>>) semaphore(%arg12 : memref<!tpu.dma_semaphore, #tpu.memory_space<semaphore_mem>>)
      %mul3A_81 = arith.constant 2 : i32
      %mul3A_82 = arith.muli %mul3A_81, %scan3A_46 : i32
      %add3A_83 = arith.constant 1 : i32
      %add3A_84 = arith.addi %mul3A_82, %add3A_83 : i32
      %mul3A_85 = arith.constant 96 : i32
      %mul3A_86 = arith.muli %add3A_84, %mul3A_85 : i32
      %multiple_of3A_87 = tpu.assume_multiple %mul3A_86, 8 : i32
      %dma_wait3A_88 = tpu.memref_slice %arg7[%multiple_of3A_87] : memref<10080xi32, #tpu.memory_space<vmem>> -> memref<96xi32, #tpu.memory_space<vmem>>
      %dma_wait3A_89 = arith.constant 0 : i32
      %dma_wait3A_90 = arith.constant 0 : i32
      %dma_wait3A_91 = tpu.memref_slice %arg2[%dma_wait3A_89, %dma_wait3A_90] : memref<10000x128xf32, #tpu.memory_space<hbm>> -> memref<10000x128xf32, #tpu.memory_space<hbm>>
      tpu.wait_indirect_dma semaphore(%arg13 : memref<!tpu.dma_semaphore, #tpu.memory_space<semaphore_mem>>) src(%dma_wait3A_91 : memref<10000x128xf32, #tpu.memory_space<hbm>>) dst(%arg11 : memref<96x128xf32, #tpu.memory_space<vmem>>)
      %mul3A_92 = arith.constant 2 : i32
      %mul3A_93 = arith.muli %mul3A_92, %scan3A_46 : i32
      %add3A_94 = arith.constant 1 : i32
      %add3A_95 = arith.addi %mul3A_93, %add3A_94 : i32
      %run_scoped3A_96 = arith.constant 0 : i32
      "tpu.region"() ({
        %run_scoped3A_97 = tpu.sem_alloc : memref<!tpu.dma_semaphore, #tpu.memory_space<semaphore_mem>>
        %dma_start3A_98 = arith.constant 0 : i32
        %dma_start3A_99 = tpu.memref_slice %arg8[%add3A_95, %run_scoped3A_96, %dma_start3A_98] : memref<105x1x96xi32, #tpu.memory_space<vmem>> -> memref<1x1x96xi32, #tpu.memory_space<vmem>>
        %dma_start3A_100 = tpu.memref_squeeze %dma_start3A_99 : memref<1x1x96xi32, #tpu.memory_space<vmem>> -> memref<96xi32, #tpu.memory_space<vmem>>
        %dma_start3A_101 = arith.constant 0 : i32
        %dma_start3A_102 = arith.constant 0 : i32
        %dma_start3A_103 = tpu.memref_slice %arg9[%dma_start3A_101, %dma_start3A_102] : memref<10112x128xf32, #tpu.memory_space<vmem_shared>> -> memref<10112x128xf32, #tpu.memory_space<vmem_shared>>
        tpu.enqueue_indirect_dma source(%arg11 : memref<96x128xf32, #tpu.memory_space<vmem>>) target(%dma_start3A_103 : memref<10112x128xf32, #tpu.memory_space<vmem_shared>>) offsets(%dma_start3A_100 : memref<96xi32, #tpu.memory_space<vmem>>) semaphore(%run_scoped3A_97 : memref<!tpu.dma_semaphore, #tpu.memory_space<semaphore_mem>>) {add = true}
        %dma_wait3A_104 = arith.constant 0 : i32
        %dma_wait3A_105 = tpu.memref_slice %arg8[%add3A_95, %run_scoped3A_96, %dma_wait3A_104] : memref<105x1x96xi32, #tpu.memory_space<vmem>> -> memref<1x1x96xi32, #tpu.memory_space<vmem>>
        %dma_wait3A_106 = tpu.memref_squeeze %dma_wait3A_105 : memref<1x1x96xi32, #tpu.memory_space<vmem>> -> memref<96xi32, #tpu.memory_space<vmem>>
        %dma_wait3A_107 = arith.constant 0 : i32
        %dma_wait3A_108 = arith.constant 0 : i32
        %dma_wait3A_109 = tpu.memref_slice %arg9[%dma_wait3A_107, %dma_wait3A_108] : memref<10112x128xf32, #tpu.memory_space<vmem_shared>> -> memref<10112x128xf32, #tpu.memory_space<vmem_shared>>
        tpu.wait_indirect_dma semaphore(%run_scoped3A_97 : memref<!tpu.dma_semaphore, #tpu.memory_space<semaphore_mem>>) src(%arg11 : memref<96x128xf32, #tpu.memory_space<vmem>>) dst(%dma_wait3A_109 : memref<10112x128xf32, #tpu.memory_space<vmem_shared>>)
        tpu.yield
      }) : () -> ()
    }
    %scan3A_37 = arith.constant 52 : i32
    %multiple_of3A_38 = arith.constant 9984 : i32
    %multiple_of3A_39 = tpu.assume_multiple %multiple_of3A_38, 8 : i32
    %dma_wait3A_40 = tpu.memref_slice %arg7[%multiple_of3A_39] : memref<10080xi32, #tpu.memory_space<vmem>> -> memref<96xi32, #tpu.memory_space<vmem>>
    %dma_wait3A_41 = arith.constant 0 : i32
    %dma_wait3A_42 = arith.constant 0 : i32
    %dma_wait3A_43 = tpu.memref_slice %arg2[%dma_wait3A_41, %dma_wait3A_42] : memref<10000x128xf32, #tpu.memory_space<hbm>> -> memref<10000x128xf32, #tpu.memory_space<hbm>>
    tpu.wait_indirect_dma semaphore(%arg12 : memref<!tpu.dma_semaphore, #tpu.memory_space<semaphore_mem>>) src(%dma_wait3A_43 : memref<10000x128xf32, #tpu.memory_space<hbm>>) dst(%arg10 : memref<96x128xf32, #tpu.memory_space<vmem>>)
    %run_scoped3A = arith.constant 104 : i32
    %run_scoped3A_44 = arith.constant 0 : i32
    "tpu.region"() ({
      %run_scoped3A_46 = tpu.sem_alloc : memref<!tpu.dma_semaphore, #tpu.memory_space<semaphore_mem>>
      %dma_start3A_47 = arith.constant 0 : i32
      %dma_start3A_48 = tpu.memref_slice %arg8[%run_scoped3A, %run_scoped3A_44, %dma_start3A_47] : memref<105x1x96xi32, #tpu.memory_space<vmem>> -> memref<1x1x96xi32, #tpu.memory_space<vmem>>
      %dma_start3A_49 = tpu.memref_squeeze %dma_start3A_48 : memref<1x1x96xi32, #tpu.memory_space<vmem>> -> memref<96xi32, #tpu.memory_space<vmem>>
      %dma_start3A_50 = arith.constant 0 : i32
      %dma_start3A_51 = arith.constant 0 : i32
      %dma_start3A_52 = tpu.memref_slice %arg9[%dma_start3A_50, %dma_start3A_51] : memref<10112x128xf32, #tpu.memory_space<vmem_shared>> -> memref<10112x128xf32, #tpu.memory_space<vmem_shared>>
      tpu.enqueue_indirect_dma source(%arg10 : memref<96x128xf32, #tpu.memory_space<vmem>>) target(%dma_start3A_52 : memref<10112x128xf32, #tpu.memory_space<vmem_shared>>) offsets(%dma_start3A_49 : memref<96xi32, #tpu.memory_space<vmem>>) semaphore(%run_scoped3A_46 : memref<!tpu.dma_semaphore, #tpu.memory_space<semaphore_mem>>) {add = true}
      %dma_wait3A_53 = arith.constant 0 : i32
      %dma_wait3A_54 = tpu.memref_slice %arg8[%run_scoped3A, %run_scoped3A_44, %dma_wait3A_53] : memref<105x1x96xi32, #tpu.memory_space<vmem>> -> memref<1x1x96xi32, #tpu.memory_space<vmem>>
      %dma_wait3A_55 = tpu.memref_squeeze %dma_wait3A_54 : memref<1x1x96xi32, #tpu.memory_space<vmem>> -> memref<96xi32, #tpu.memory_space<vmem>>
      %dma_wait3A_56 = arith.constant 0 : i32
      %dma_wait3A_57 = arith.constant 0 : i32
      %dma_wait3A_58 = tpu.memref_slice %arg9[%dma_wait3A_56, %dma_wait3A_57] : memref<10112x128xf32, #tpu.memory_space<vmem_shared>> -> memref<10112x128xf32, #tpu.memory_space<vmem_shared>>
      tpu.wait_indirect_dma semaphore(%run_scoped3A_46 : memref<!tpu.dma_semaphore, #tpu.memory_space<semaphore_mem>>) src(%arg10 : memref<96x128xf32, #tpu.memory_space<vmem>>) dst(%dma_wait3A_58 : memref<10112x128xf32, #tpu.memory_space<vmem_shared>>)
      tpu.yield
    }) : () -> ()
    %barrier3A_45 = arith.constant 0 : index
    tpu.barrier barrier_id(%barrier3A_45)
    "tpu.region"() ({
      %run_scoped3A_46 = tpu.sem_alloc : memref<!tpu.dma_semaphore, #tpu.memory_space<semaphore_mem>>
      %dma_start3A_47 = arith.constant 0 : i32
      %dma_start3A_48 = tpu.memref_slice %arg6[%arg0, %mul3A_4, %dma_start3A_47] : memref<2x10112x128xf32, #tpu.memory_space<hbm>> -> memref<1x632x128xf32, #tpu.memory_space<hbm>>
      %dma_start3A_49 = tpu.memref_squeeze %dma_start3A_48 : memref<1x632x128xf32, #tpu.memory_space<hbm>> -> memref<632x128xf32, #tpu.memory_space<hbm>>
      %dma_start3A_50 = arith.constant 0 : i32
      %dma_start3A_51 = tpu.memref_slice %arg9[%mul3A_4, %dma_start3A_50] : memref<10112x128xf32, #tpu.memory_space<vmem_shared>> -> memref<632x128xf32, #tpu.memory_space<vmem_shared>>
      tpu.enqueue_dma source(%dma_start3A_51 : memref<632x128xf32, #tpu.memory_space<vmem_shared>>) target(%dma_start3A_49 : memref<632x128xf32, #tpu.memory_space<hbm>>) target_semaphore(%run_scoped3A_46 : memref<!tpu.dma_semaphore, #tpu.memory_space<semaphore_mem>>)
      %dma_wait3A_52 = arith.constant 0 : i32
      %dma_wait3A_53 = tpu.memref_slice %arg6[%arg0, %mul3A_4, %dma_wait3A_52] : memref<2x10112x128xf32, #tpu.memory_space<hbm>> -> memref<1x632x128xf32, #tpu.memory_space<hbm>>
      %dma_wait3A_54 = tpu.memref_squeeze %dma_wait3A_53 : memref<1x632x128xf32, #tpu.memory_space<hbm>> -> memref<632x128xf32, #tpu.memory_space<hbm>>
      %dma_wait3A_55 = arith.constant 0 : i32
      %dma_wait3A_56 = tpu.memref_slice %arg9[%mul3A_4, %dma_wait3A_55] : memref<10112x128xf32, #tpu.memory_space<vmem_shared>> -> memref<632x128xf32, #tpu.memory_space<vmem_shared>>
      tpu.wait_dma2 semaphore(%run_scoped3A_46 : memref<!tpu.dma_semaphore, #tpu.memory_space<semaphore_mem>>) src(%dma_wait3A_56 : memref<632x128xf32, #tpu.memory_space<vmem_shared>>) dst(%dma_wait3A_54 : memref<632x128xf32, #tpu.memory_space<hbm>>)
      tpu.yield
    }) : () -> ()
    return
  }
}

#map = affine_map<(d0, d1) -> (0, 0)>
#map1 = affine_map<(d0, d1) -> (0)>
#map2 = affine_map<(d0, d1) -> (0, 0, 0)>
module attributes {stable_mosaic.version = 14 : i64} {
  func.func @_seg_sum_body(%arg0: i32, %arg1: i32, %arg2: memref<10000x128xf32, #tpu.memory_space<hbm>>, %arg3: memref<322560xi32, #tpu.memory_space<hbm>>, %arg4: memref<3360x1x96xi32, #tpu.memory_space<hbm>>, %arg5: memref<10112x128xf32, #tpu.memory_space<hbm>>, %arg6: memref<10112xf32, #tpu.memory_space<hbm>>, %arg7: memref<96xf32, #tpu.memory_space<hbm>>, %arg8: memref<2x10112x128xf32, #tpu.memory_space<hbm>>, %arg9: memref<2x1x10112xf32, #tpu.memory_space<hbm>>, %arg10: memref<10080xi32, #tpu.memory_space<vmem>>, %arg11: memref<105x1x96xi32, #tpu.memory_space<vmem>>, %arg12: memref<96xf32, #tpu.memory_space<vmem>>, %arg13: memref<10112x128xf32, #tpu.memory_space<vmem_shared>>, %arg14: memref<10112xf32, #tpu.memory_space<vmem_shared>>, %arg15: memref<96x128xf32, #tpu.memory_space<vmem>>, %arg16: memref<96x128xf32, #tpu.memory_space<vmem>>, %arg17: memref<!tpu.dma_semaphore, #tpu.memory_space<semaphore_mem>>, %arg18: memref<!tpu.dma_semaphore, #tpu.memory_space<semaphore_mem>>) attributes {dimension_semantics = [#tpu.dimension_semantics<core_parallel>, #tpu.dimension_semantics<subcore_parallel>], iteration_bounds = array<i64: 2, 16>, scalar_prefetch = 0 : i64, scratch_operands = 9 : i64, tpu.core_type = #tpu.core_type<sc_vector_subcore>, window_params = [{transform_indices = #map}, {transform_indices = #map1}, {transform_indices = #map2}, {transform_indices = #map}, {transform_indices = #map1}, {transform_indices = #map1}, {transform_indices = #map2}, {transform_indices = #map2}]} {
    %mul3A = arith.constant 161280 : i32
    %mul3A_0 = arith.muli %arg0, %mul3A : i32
    %mul3A_1 = arith.constant 10080 : i32
    %mul3A_2 = arith.muli %arg1, %mul3A_1 : i32
    %add3A = arith.addi %mul3A_0, %mul3A_2 : i32
    %mul3A_3 = arith.constant 632 : i32
    %mul3A_4 = arith.muli %arg1, %mul3A_3 : i32
    %dma_start3A = arith.constant 0 : i32
    %dma_start3A_5 = tpu.memref_slice %arg13[%mul3A_4, %dma_start3A] : memref<10112x128xf32, #tpu.memory_space<vmem_shared>> -> memref<632x128xf32, #tpu.memory_space<vmem_shared>>
    %dma_start3A_6 = arith.constant 0 : i32
    %dma_start3A_7 = tpu.memref_slice %arg5[%mul3A_4, %dma_start3A_6] : memref<10112x128xf32, #tpu.memory_space<hbm>> -> memref<632x128xf32, #tpu.memory_space<hbm>>
    tpu.enqueue_dma source(%dma_start3A_7 : memref<632x128xf32, #tpu.memory_space<hbm>>) target(%dma_start3A_5 : memref<632x128xf32, #tpu.memory_space<vmem_shared>>) target_semaphore(%arg17 : memref<!tpu.dma_semaphore, #tpu.memory_space<semaphore_mem>>)
    %multiple_of3A = tpu.assume_multiple %add3A, 8 : i32
    "tpu.region"() ({
      %run_scoped3A_55 = tpu.sem_alloc : memref<!tpu.dma_semaphore, #tpu.memory_space<semaphore_mem>>
      %dma_start3A_56 = tpu.memref_slice %arg3[%multiple_of3A] : memref<322560xi32, #tpu.memory_space<hbm>> -> memref<10080xi32, #tpu.memory_space<hbm>>
      %dma_start3A_57 = tpu.memref_slice %arg3[%multiple_of3A] : memref<322560xi32, #tpu.memory_space<hbm>> -> memref<10080xi32, #tpu.memory_space<hbm>>
      tpu.enqueue_dma source(%dma_start3A_57 : memref<10080xi32, #tpu.memory_space<hbm>>) target(%arg10 : memref<10080xi32, #tpu.memory_space<vmem>>) target_semaphore(%run_scoped3A_55 : memref<!tpu.dma_semaphore, #tpu.memory_space<semaphore_mem>>)
      %dma_wait3A_58 = tpu.memref_slice %arg3[%multiple_of3A] : memref<322560xi32, #tpu.memory_space<hbm>> -> memref<10080xi32, #tpu.memory_space<hbm>>
      %dma_wait3A_59 = tpu.memref_slice %arg3[%multiple_of3A] : memref<322560xi32, #tpu.memory_space<hbm>> -> memref<10080xi32, #tpu.memory_space<hbm>>
      tpu.wait_dma2 semaphore(%run_scoped3A_55 : memref<!tpu.dma_semaphore, #tpu.memory_space<semaphore_mem>>) src(%dma_wait3A_59 : memref<10080xi32, #tpu.memory_space<hbm>>) dst(%arg10 : memref<10080xi32, #tpu.memory_space<vmem>>)
      tpu.yield
    }) : () -> ()
    %jit3A = arith.constant 96 : i32
    %div3A = arith.divsi %add3A, %jit3A : i32
    %sign3A = arith.constant 0 : i32
    %sign3A_8 = arith.cmpi sgt, %add3A, %sign3A : i32
    %sign3A_9 = arith.extui %sign3A_8 : i1 to i32
    %sign3A_10 = arith.constant 0 : i32
    %sign3A_11 = arith.cmpi slt, %add3A, %sign3A_10 : i32
    %sign3A_12 = arith.extui %sign3A_11 : i1 to i32
    %sign3A_13 = arith.subi %sign3A_9, %sign3A_12 : i32
    %sign3A_14 = arith.constant 0 : i32
    %sign3A_15 = arith.cmpi sgt, %jit3A, %sign3A_14 : i32
    %sign3A_16 = arith.extui %sign3A_15 : i1 to i32
    %sign3A_17 = arith.constant 0 : i32
    %sign3A_18 = arith.cmpi slt, %jit3A, %sign3A_17 : i32
    %sign3A_19 = arith.extui %sign3A_18 : i1 to i32
    %sign3A_20 = arith.subi %sign3A_16, %sign3A_19 : i32
    %ne3A = arith.cmpi ne, %sign3A_13, %sign3A_20 : i32
    %rem3A = arith.remsi %add3A, %jit3A : i32
    %ne3A_21 = arith.constant 0 : i32
    %ne3A_22 = arith.cmpi ne, %rem3A, %ne3A_21 : i32
    %and3A = arith.andi %ne3A, %ne3A_22 : i1
    %sub3A = arith.constant 1 : i32
    %sub3A_23 = arith.subi %div3A, %sub3A : i32
    %select_n3A = arith.select %and3A, %sub3A_23, %div3A : i32
    "tpu.region"() ({
      %run_scoped3A_55 = tpu.sem_alloc : memref<!tpu.dma_semaphore, #tpu.memory_space<semaphore_mem>>
      %dma_start3A_56 = arith.constant 0 : i32
      %dma_start3A_57 = arith.constant 0 : i32
      %dma_start3A_58 = tpu.memref_slice %arg4[%select_n3A, %dma_start3A_56, %dma_start3A_57] : memref<3360x1x96xi32, #tpu.memory_space<hbm>> -> memref<105x1x96xi32, #tpu.memory_space<hbm>>
      %dma_start3A_59 = arith.constant 0 : i32
      %dma_start3A_60 = arith.constant 0 : i32
      %dma_start3A_61 = tpu.memref_slice %arg4[%select_n3A, %dma_start3A_59, %dma_start3A_60] : memref<3360x1x96xi32, #tpu.memory_space<hbm>> -> memref<105x1x96xi32, #tpu.memory_space<hbm>>
      tpu.enqueue_dma source(%dma_start3A_61 : memref<105x1x96xi32, #tpu.memory_space<hbm>>) target(%arg11 : memref<105x1x96xi32, #tpu.memory_space<vmem>>) target_semaphore(%run_scoped3A_55 : memref<!tpu.dma_semaphore, #tpu.memory_space<semaphore_mem>>)
      %dma_wait3A_62 = arith.constant 0 : i32
      %dma_wait3A_63 = arith.constant 0 : i32
      %dma_wait3A_64 = tpu.memref_slice %arg4[%select_n3A, %dma_wait3A_62, %dma_wait3A_63] : memref<3360x1x96xi32, #tpu.memory_space<hbm>> -> memref<105x1x96xi32, #tpu.memory_space<hbm>>
      %dma_wait3A_65 = arith.constant 0 : i32
      %dma_wait3A_66 = arith.constant 0 : i32
      %dma_wait3A_67 = tpu.memref_slice %arg4[%select_n3A, %dma_wait3A_65, %dma_wait3A_66] : memref<3360x1x96xi32, #tpu.memory_space<hbm>> -> memref<105x1x96xi32, #tpu.memory_space<hbm>>
      tpu.wait_dma2 semaphore(%run_scoped3A_55 : memref<!tpu.dma_semaphore, #tpu.memory_space<semaphore_mem>>) src(%dma_wait3A_67 : memref<105x1x96xi32, #tpu.memory_space<hbm>>) dst(%arg11 : memref<105x1x96xi32, #tpu.memory_space<vmem>>)
      tpu.yield
    }) : () -> ()
    %eq3A = arith.constant 0 : i32
    %eq3A_24 = arith.cmpi eq, %arg1, %eq3A : i32
    %convert_element_type3A = arith.extui %eq3A_24 : i1 to i32
    %cond3A = arith.constant 0 : i32
    %cond3A_25 = arith.cmpi ne, %convert_element_type3A, %cond3A : i32
    scf.if %cond3A_25 {
      "tpu.region"() ({
        %run_scoped3A_55 = tpu.sem_alloc : memref<!tpu.dma_semaphore, #tpu.memory_space<semaphore_mem>>
        tpu.enqueue_dma source(%arg6 : memref<10112xf32, #tpu.memory_space<hbm>>) target(%arg14 : memref<10112xf32, #tpu.memory_space<vmem_shared>>) target_semaphore(%run_scoped3A_55 : memref<!tpu.dma_semaphore, #tpu.memory_space<semaphore_mem>>)
        tpu.wait_dma2 semaphore(%run_scoped3A_55 : memref<!tpu.dma_semaphore, #tpu.memory_space<semaphore_mem>>) src(%arg6 : memref<10112xf32, #tpu.memory_space<hbm>>) dst(%arg14 : memref<10112xf32, #tpu.memory_space<vmem_shared>>)
        tpu.yield
      }) : () -> ()
    } else {
    }
    "tpu.region"() ({
      %run_scoped3A_55 = tpu.sem_alloc : memref<!tpu.dma_semaphore, #tpu.memory_space<semaphore_mem>>
      tpu.enqueue_dma source(%arg7 : memref<96xf32, #tpu.memory_space<hbm>>) target(%arg12 : memref<96xf32, #tpu.memory_space<vmem>>) target_semaphore(%run_scoped3A_55 : memref<!tpu.dma_semaphore, #tpu.memory_space<semaphore_mem>>)
      tpu.wait_dma2 semaphore(%run_scoped3A_55 : memref<!tpu.dma_semaphore, #tpu.memory_space<semaphore_mem>>) src(%arg7 : memref<96xf32, #tpu.memory_space<hbm>>) dst(%arg12 : memref<96xf32, #tpu.memory_space<vmem>>)
      tpu.yield
    }) : () -> ()
    %dma_wait3A = arith.constant 0 : i32
    %dma_wait3A_26 = tpu.memref_slice %arg13[%mul3A_4, %dma_wait3A] : memref<10112x128xf32, #tpu.memory_space<vmem_shared>> -> memref<632x128xf32, #tpu.memory_space<vmem_shared>>
    %dma_wait3A_27 = arith.constant 0 : i32
    %dma_wait3A_28 = tpu.memref_slice %arg5[%mul3A_4, %dma_wait3A_27] : memref<10112x128xf32, #tpu.memory_space<hbm>> -> memref<632x128xf32, #tpu.memory_space<hbm>>
    tpu.wait_dma2 semaphore(%arg17 : memref<!tpu.dma_semaphore, #tpu.memory_space<semaphore_mem>>) src(%dma_wait3A_28 : memref<632x128xf32, #tpu.memory_space<hbm>>) dst(%dma_wait3A_26 : memref<632x128xf32, #tpu.memory_space<vmem_shared>>)
    %barrier3A = arith.constant 0 : index
    tpu.barrier barrier_id(%barrier3A)
    %multiple_of3A_29 = arith.constant 0 : i32
    %multiple_of3A_30 = tpu.assume_multiple %multiple_of3A_29, 8 : i32
    %dma_start3A_31 = tpu.memref_slice %arg10[%multiple_of3A_30] : memref<10080xi32, #tpu.memory_space<vmem>> -> memref<96xi32, #tpu.memory_space<vmem>>
    %dma_start3A_32 = arith.constant 0 : i32
    %dma_start3A_33 = arith.constant 0 : i32
    %dma_start3A_34 = tpu.memref_slice %arg2[%dma_start3A_32, %dma_start3A_33] : memref<10000x128xf32, #tpu.memory_space<hbm>> -> memref<10000x128xf32, #tpu.memory_space<hbm>>
    tpu.enqueue_indirect_dma source(%dma_start3A_34 : memref<10000x128xf32, #tpu.memory_space<hbm>>) target(%arg15 : memref<96x128xf32, #tpu.memory_space<vmem>>) offsets(%dma_start3A_31 : memref<96xi32, #tpu.memory_space<vmem>>) semaphore(%arg17 : memref<!tpu.dma_semaphore, #tpu.memory_space<semaphore_mem>>)
    %scan3A = arith.constant 0 : i32
    %scan3A_35 = arith.constant 0 : i32
    %scan3A_36 = arith.constant 52 : i32
    %scan3A_37 = arith.addi %scan3A_35, %scan3A_36 : i32
    %scan3A_38 = arith.constant 1 : i32
    scf.for %scan3A_55 = %scan3A_35 to %scan3A_37 step %scan3A_38  : i32 {
      %mul3A_56 = arith.constant 2 : i32
      %mul3A_57 = arith.muli %mul3A_56, %scan3A_55 : i32
      %add3A_58 = arith.constant 1 : i32
      %add3A_59 = arith.addi %mul3A_57, %add3A_58 : i32
      %mul3A_60 = arith.constant 96 : i32
      %mul3A_61 = arith.muli %add3A_59, %mul3A_60 : i32
      %multiple_of3A_62 = tpu.assume_multiple %mul3A_61, 8 : i32
      %dma_start3A_63 = tpu.memref_slice %arg10[%multiple_of3A_62] : memref<10080xi32, #tpu.memory_space<vmem>> -> memref<96xi32, #tpu.memory_space<vmem>>
      %dma_start3A_64 = arith.constant 0 : i32
      %dma_start3A_65 = arith.constant 0 : i32
      %dma_start3A_66 = tpu.memref_slice %arg2[%dma_start3A_64, %dma_start3A_65] : memref<10000x128xf32, #tpu.memory_space<hbm>> -> memref<10000x128xf32, #tpu.memory_space<hbm>>
      tpu.enqueue_indirect_dma source(%dma_start3A_66 : memref<10000x128xf32, #tpu.memory_space<hbm>>) target(%arg16 : memref<96x128xf32, #tpu.memory_space<vmem>>) offsets(%dma_start3A_63 : memref<96xi32, #tpu.memory_space<vmem>>) semaphore(%arg18 : memref<!tpu.dma_semaphore, #tpu.memory_space<semaphore_mem>>)
      %mul3A_67 = arith.constant 2 : i32
      %mul3A_68 = arith.muli %mul3A_67, %scan3A_55 : i32
      %mul3A_69 = arith.constant 96 : i32
      %mul3A_70 = arith.muli %mul3A_68, %mul3A_69 : i32
      %multiple_of3A_71 = tpu.assume_multiple %mul3A_70, 8 : i32
      %dma_wait3A_72 = tpu.memref_slice %arg10[%multiple_of3A_71] : memref<10080xi32, #tpu.memory_space<vmem>> -> memref<96xi32, #tpu.memory_space<vmem>>
      %dma_wait3A_73 = arith.constant 0 : i32
      %dma_wait3A_74 = arith.constant 0 : i32
      %dma_wait3A_75 = tpu.memref_slice %arg2[%dma_wait3A_73, %dma_wait3A_74] : memref<10000x128xf32, #tpu.memory_space<hbm>> -> memref<10000x128xf32, #tpu.memory_space<hbm>>
      tpu.wait_indirect_dma semaphore(%arg17 : memref<!tpu.dma_semaphore, #tpu.memory_space<semaphore_mem>>) src(%dma_wait3A_75 : memref<10000x128xf32, #tpu.memory_space<hbm>>) dst(%arg15 : memref<96x128xf32, #tpu.memory_space<vmem>>)
      %mul3A_76 = arith.constant 2 : i32
      %mul3A_77 = arith.muli %mul3A_76, %scan3A_55 : i32
      %run_scoped3A_78 = arith.constant 0 : i32
      "tpu.region"() ({
        %run_scoped3A_108 = tpu.sem_alloc : memref<!tpu.dma_semaphore, #tpu.memory_space<semaphore_mem>>
        %dma_start3A_109 = arith.constant 0 : i32
        %dma_start3A_110 = tpu.memref_slice %arg11[%mul3A_77, %run_scoped3A_78, %dma_start3A_109] : memref<105x1x96xi32, #tpu.memory_space<vmem>> -> memref<1x1x96xi32, #tpu.memory_space<vmem>>
        %dma_start3A_111 = tpu.memref_squeeze %dma_start3A_110 : memref<1x1x96xi32, #tpu.memory_space<vmem>> -> memref<96xi32, #tpu.memory_space<vmem>>
        %dma_start3A_112 = arith.constant 0 : i32
        %dma_start3A_113 = arith.constant 0 : i32
        %dma_start3A_114 = tpu.memref_slice %arg13[%dma_start3A_112, %dma_start3A_113] : memref<10112x128xf32, #tpu.memory_space<vmem_shared>> -> memref<10112x128xf32, #tpu.memory_space<vmem_shared>>
        tpu.enqueue_indirect_dma source(%arg15 : memref<96x128xf32, #tpu.memory_space<vmem>>) target(%dma_start3A_114 : memref<10112x128xf32, #tpu.memory_space<vmem_shared>>) offsets(%dma_start3A_111 : memref<96xi32, #tpu.memory_space<vmem>>) semaphore(%run_scoped3A_108 : memref<!tpu.dma_semaphore, #tpu.memory_space<semaphore_mem>>) {add = true}
        %dma_wait3A_115 = arith.constant 0 : i32
        %dma_wait3A_116 = tpu.memref_slice %arg11[%mul3A_77, %run_scoped3A_78, %dma_wait3A_115] : memref<105x1x96xi32, #tpu.memory_space<vmem>> -> memref<1x1x96xi32, #tpu.memory_space<vmem>>
        %dma_wait3A_117 = tpu.memref_squeeze %dma_wait3A_116 : memref<1x1x96xi32, #tpu.memory_space<vmem>> -> memref<96xi32, #tpu.memory_space<vmem>>
        %dma_wait3A_118 = arith.constant 0 : i32
        %dma_wait3A_119 = arith.constant 0 : i32
        %dma_wait3A_120 = tpu.memref_slice %arg13[%dma_wait3A_118, %dma_wait3A_119] : memref<10112x128xf32, #tpu.memory_space<vmem_shared>> -> memref<10112x128xf32, #tpu.memory_space<vmem_shared>>
        tpu.wait_indirect_dma semaphore(%run_scoped3A_108 : memref<!tpu.dma_semaphore, #tpu.memory_space<semaphore_mem>>) src(%arg15 : memref<96x128xf32, #tpu.memory_space<vmem>>) dst(%dma_wait3A_120 : memref<10112x128xf32, #tpu.memory_space<vmem_shared>>)
        tpu.yield
      }) : () -> ()
      %run_scoped3A_79 = arith.constant 0 : i32
      "tpu.region"() ({
        %run_scoped3A_108 = tpu.sem_alloc : memref<!tpu.dma_semaphore, #tpu.memory_space<semaphore_mem>>
        %dma_start3A_109 = arith.constant 0 : i32
        %dma_start3A_110 = tpu.memref_slice %arg11[%mul3A_77, %run_scoped3A_79, %dma_start3A_109] : memref<105x1x96xi32, #tpu.memory_space<vmem>> -> memref<1x1x96xi32, #tpu.memory_space<vmem>>
        %dma_start3A_111 = tpu.memref_squeeze %dma_start3A_110 : memref<1x1x96xi32, #tpu.memory_space<vmem>> -> memref<96xi32, #tpu.memory_space<vmem>>
        %dma_start3A_112 = arith.constant 0 : i32
        %dma_start3A_113 = tpu.memref_slice %arg14[%dma_start3A_112] : memref<10112xf32, #tpu.memory_space<vmem_shared>> -> memref<10112xf32, #tpu.memory_space<vmem_shared>>
        tpu.enqueue_indirect_dma source(%arg12 : memref<96xf32, #tpu.memory_space<vmem>>) target(%dma_start3A_113 : memref<10112xf32, #tpu.memory_space<vmem_shared>>) offsets(%dma_start3A_111 : memref<96xi32, #tpu.memory_space<vmem>>) semaphore(%run_scoped3A_108 : memref<!tpu.dma_semaphore, #tpu.memory_space<semaphore_mem>>) {add = true}
        %dma_wait3A_114 = arith.constant 0 : i32
        %dma_wait3A_115 = tpu.memref_slice %arg11[%mul3A_77, %run_scoped3A_79, %dma_wait3A_114] : memref<105x1x96xi32, #tpu.memory_space<vmem>> -> memref<1x1x96xi32, #tpu.memory_space<vmem>>
        %dma_wait3A_116 = tpu.memref_squeeze %dma_wait3A_115 : memref<1x1x96xi32, #tpu.memory_space<vmem>> -> memref<96xi32, #tpu.memory_space<vmem>>
        %dma_wait3A_117 = arith.constant 0 : i32
        %dma_wait3A_118 = tpu.memref_slice %arg14[%dma_wait3A_117] : memref<10112xf32, #tpu.memory_space<vmem_shared>> -> memref<10112xf32, #tpu.memory_space<vmem_shared>>
        tpu.wait_indirect_dma semaphore(%run_scoped3A_108 : memref<!tpu.dma_semaphore, #tpu.memory_space<semaphore_mem>>) src(%arg12 : memref<96xf32, #tpu.memory_space<vmem>>) dst(%dma_wait3A_118 : memref<10112xf32, #tpu.memory_space<vmem_shared>>)
        tpu.yield
      }) : () -> ()
      %mul3A_80 = arith.constant 2 : i32
      %mul3A_81 = arith.muli %mul3A_80, %scan3A_55 : i32
      %add3A_82 = arith.constant 2 : i32
      %add3A_83 = arith.addi %mul3A_81, %add3A_82 : i32
      %mul3A_84 = arith.constant 96 : i32
      %mul3A_85 = arith.muli %add3A_83, %mul3A_84 : i32
      %multiple_of3A_86 = tpu.assume_multiple %mul3A_85, 8 : i32
      %dma_start3A_87 = tpu.memref_slice %arg10[%multiple_of3A_86] : memref<10080xi32, #tpu.memory_space<vmem>> -> memref<96xi32, #tpu.memory_space<vmem>>
      %dma_start3A_88 = arith.constant 0 : i32
      %dma_start3A_89 = arith.constant 0 : i32
      %dma_start3A_90 = tpu.memref_slice %arg2[%dma_start3A_88, %dma_start3A_89] : memref<10000x128xf32, #tpu.memory_space<hbm>> -> memref<10000x128xf32, #tpu.memory_space<hbm>>
      tpu.enqueue_indirect_dma source(%dma_start3A_90 : memref<10000x128xf32, #tpu.memory_space<hbm>>) target(%arg15 : memref<96x128xf32, #tpu.memory_space<vmem>>) offsets(%dma_start3A_87 : memref<96xi32, #tpu.memory_space<vmem>>) semaphore(%arg17 : memref<!tpu.dma_semaphore, #tpu.memory_space<semaphore_mem>>)
      %mul3A_91 = arith.constant 2 : i32
      %mul3A_92 = arith.muli %mul3A_91, %scan3A_55 : i32
      %add3A_93 = arith.constant 1 : i32
      %add3A_94 = arith.addi %mul3A_92, %add3A_93 : i32
      %mul3A_95 = arith.constant 96 : i32
      %mul3A_96 = arith.muli %add3A_94, %mul3A_95 : i32
      %multiple_of3A_97 = tpu.assume_multiple %mul3A_96, 8 : i32
      %dma_wait3A_98 = tpu.memref_slice %arg10[%multiple_of3A_97] : memref<10080xi32, #tpu.memory_space<vmem>> -> memref<96xi32, #tpu.memory_space<vmem>>
      %dma_wait3A_99 = arith.constant 0 : i32
      %dma_wait3A_100 = arith.constant 0 : i32
      %dma_wait3A_101 = tpu.memref_slice %arg2[%dma_wait3A_99, %dma_wait3A_100] : memref<10000x128xf32, #tpu.memory_space<hbm>> -> memref<10000x128xf32, #tpu.memory_space<hbm>>
      tpu.wait_indirect_dma semaphore(%arg18 : memref<!tpu.dma_semaphore, #tpu.memory_space<semaphore_mem>>) src(%dma_wait3A_101 : memref<10000x128xf32, #tpu.memory_space<hbm>>) dst(%arg16 : memref<96x128xf32, #tpu.memory_space<vmem>>)
      %mul3A_102 = arith.constant 2 : i32
      %mul3A_103 = arith.muli %mul3A_102, %scan3A_55 : i32
      %add3A_104 = arith.constant 1 : i32
      %add3A_105 = arith.addi %mul3A_103, %add3A_104 : i32
      %run_scoped3A_106 = arith.constant 0 : i32
      "tpu.region"() ({
        %run_scoped3A_108 = tpu.sem_alloc : memref<!tpu.dma_semaphore, #tpu.memory_space<semaphore_mem>>
        %dma_start3A_109 = arith.constant 0 : i32
        %dma_start3A_110 = tpu.memref_slice %arg11[%add3A_105, %run_scoped3A_106, %dma_start3A_109] : memref<105x1x96xi32, #tpu.memory_space<vmem>> -> memref<1x1x96xi32, #tpu.memory_space<vmem>>
        %dma_start3A_111 = tpu.memref_squeeze %dma_start3A_110 : memref<1x1x96xi32, #tpu.memory_space<vmem>> -> memref<96xi32, #tpu.memory_space<vmem>>
        %dma_start3A_112 = arith.constant 0 : i32
        %dma_start3A_113 = arith.constant 0 : i32
        %dma_start3A_114 = tpu.memref_slice %arg13[%dma_start3A_112, %dma_start3A_113] : memref<10112x128xf32, #tpu.memory_space<vmem_shared>> -> memref<10112x128xf32, #tpu.memory_space<vmem_shared>>
        tpu.enqueue_indirect_dma source(%arg16 : memref<96x128xf32, #tpu.memory_space<vmem>>) target(%dma_start3A_114 : memref<10112x128xf32, #tpu.memory_space<vmem_shared>>) offsets(%dma_start3A_111 : memref<96xi32, #tpu.memory_space<vmem>>) semaphore(%run_scoped3A_108 : memref<!tpu.dma_semaphore, #tpu.memory_space<semaphore_mem>>) {add = true}
        %dma_wait3A_115 = arith.constant 0 : i32
        %dma_wait3A_116 = tpu.memref_slice %arg11[%add3A_105, %run_scoped3A_106, %dma_wait3A_115] : memref<105x1x96xi32, #tpu.memory_space<vmem>> -> memref<1x1x96xi32, #tpu.memory_space<vmem>>
        %dma_wait3A_117 = tpu.memref_squeeze %dma_wait3A_116 : memref<1x1x96xi32, #tpu.memory_space<vmem>> -> memref<96xi32, #tpu.memory_space<vmem>>
        %dma_wait3A_118 = arith.constant 0 : i32
        %dma_wait3A_119 = arith.constant 0 : i32
        %dma_wait3A_120 = tpu.memref_slice %arg13[%dma_wait3A_118, %dma_wait3A_119] : memref<10112x128xf32, #tpu.memory_space<vmem_shared>> -> memref<10112x128xf32, #tpu.memory_space<vmem_shared>>
        tpu.wait_indirect_dma semaphore(%run_scoped3A_108 : memref<!tpu.dma_semaphore, #tpu.memory_space<semaphore_mem>>) src(%arg16 : memref<96x128xf32, #tpu.memory_space<vmem>>) dst(%dma_wait3A_120 : memref<10112x128xf32, #tpu.memory_space<vmem_shared>>)
        tpu.yield
      }) : () -> ()
      %run_scoped3A_107 = arith.constant 0 : i32
      "tpu.region"() ({
        %run_scoped3A_108 = tpu.sem_alloc : memref<!tpu.dma_semaphore, #tpu.memory_space<semaphore_mem>>
        %dma_start3A_109 = arith.constant 0 : i32
        %dma_start3A_110 = tpu.memref_slice %arg11[%add3A_105, %run_scoped3A_107, %dma_start3A_109] : memref<105x1x96xi32, #tpu.memory_space<vmem>> -> memref<1x1x96xi32, #tpu.memory_space<vmem>>
        %dma_start3A_111 = tpu.memref_squeeze %dma_start3A_110 : memref<1x1x96xi32, #tpu.memory_space<vmem>> -> memref<96xi32, #tpu.memory_space<vmem>>
        %dma_start3A_112 = arith.constant 0 : i32
        %dma_start3A_113 = tpu.memref_slice %arg14[%dma_start3A_112] : memref<10112xf32, #tpu.memory_space<vmem_shared>> -> memref<10112xf32, #tpu.memory_space<vmem_shared>>
        tpu.enqueue_indirect_dma source(%arg12 : memref<96xf32, #tpu.memory_space<vmem>>) target(%dma_start3A_113 : memref<10112xf32, #tpu.memory_space<vmem_shared>>) offsets(%dma_start3A_111 : memref<96xi32, #tpu.memory_space<vmem>>) semaphore(%run_scoped3A_108 : memref<!tpu.dma_semaphore, #tpu.memory_space<semaphore_mem>>) {add = true}
        %dma_wait3A_114 = arith.constant 0 : i32
        %dma_wait3A_115 = tpu.memref_slice %arg11[%add3A_105, %run_scoped3A_107, %dma_wait3A_114] : memref<105x1x96xi32, #tpu.memory_space<vmem>> -> memref<1x1x96xi32, #tpu.memory_space<vmem>>
        %dma_wait3A_116 = tpu.memref_squeeze %dma_wait3A_115 : memref<1x1x96xi32, #tpu.memory_space<vmem>> -> memref<96xi32, #tpu.memory_space<vmem>>
        %dma_wait3A_117 = arith.constant 0 : i32
        %dma_wait3A_118 = tpu.memref_slice %arg14[%dma_wait3A_117] : memref<10112xf32, #tpu.memory_space<vmem_shared>> -> memref<10112xf32, #tpu.memory_space<vmem_shared>>
        tpu.wait_indirect_dma semaphore(%run_scoped3A_108 : memref<!tpu.dma_semaphore, #tpu.memory_space<semaphore_mem>>) src(%arg12 : memref<96xf32, #tpu.memory_space<vmem>>) dst(%dma_wait3A_118 : memref<10112xf32, #tpu.memory_space<vmem_shared>>)
        tpu.yield
      }) : () -> ()
    }
    %scan3A_39 = arith.constant 52 : i32
    %multiple_of3A_40 = arith.constant 9984 : i32
    %multiple_of3A_41 = tpu.assume_multiple %multiple_of3A_40, 8 : i32
    %dma_wait3A_42 = tpu.memref_slice %arg10[%multiple_of3A_41] : memref<10080xi32, #tpu.memory_space<vmem>> -> memref<96xi32, #tpu.memory_space<vmem>>
    %dma_wait3A_43 = arith.constant 0 : i32
    %dma_wait3A_44 = arith.constant 0 : i32
    %dma_wait3A_45 = tpu.memref_slice %arg2[%dma_wait3A_43, %dma_wait3A_44] : memref<10000x128xf32, #tpu.memory_space<hbm>> -> memref<10000x128xf32, #tpu.memory_space<hbm>>
    tpu.wait_indirect_dma semaphore(%arg17 : memref<!tpu.dma_semaphore, #tpu.memory_space<semaphore_mem>>) src(%dma_wait3A_45 : memref<10000x128xf32, #tpu.memory_space<hbm>>) dst(%arg15 : memref<96x128xf32, #tpu.memory_space<vmem>>)
    %run_scoped3A = arith.constant 104 : i32
    %run_scoped3A_46 = arith.constant 0 : i32
    "tpu.region"() ({
      %run_scoped3A_55 = tpu.sem_alloc : memref<!tpu.dma_semaphore, #tpu.memory_space<semaphore_mem>>
      %dma_start3A_56 = arith.constant 0 : i32
      %dma_start3A_57 = tpu.memref_slice %arg11[%run_scoped3A, %run_scoped3A_46, %dma_start3A_56] : memref<105x1x96xi32, #tpu.memory_space<vmem>> -> memref<1x1x96xi32, #tpu.memory_space<vmem>>
      %dma_start3A_58 = tpu.memref_squeeze %dma_start3A_57 : memref<1x1x96xi32, #tpu.memory_space<vmem>> -> memref<96xi32, #tpu.memory_space<vmem>>
      %dma_start3A_59 = arith.constant 0 : i32
      %dma_start3A_60 = arith.constant 0 : i32
      %dma_start3A_61 = tpu.memref_slice %arg13[%dma_start3A_59, %dma_start3A_60] : memref<10112x128xf32, #tpu.memory_space<vmem_shared>> -> memref<10112x128xf32, #tpu.memory_space<vmem_shared>>
      tpu.enqueue_indirect_dma source(%arg15 : memref<96x128xf32, #tpu.memory_space<vmem>>) target(%dma_start3A_61 : memref<10112x128xf32, #tpu.memory_space<vmem_shared>>) offsets(%dma_start3A_58 : memref<96xi32, #tpu.memory_space<vmem>>) semaphore(%run_scoped3A_55 : memref<!tpu.dma_semaphore, #tpu.memory_space<semaphore_mem>>) {add = true}
      %dma_wait3A_62 = arith.constant 0 : i32
      %dma_wait3A_63 = tpu.memref_slice %arg11[%run_scoped3A, %run_scoped3A_46, %dma_wait3A_62] : memref<105x1x96xi32, #tpu.memory_space<vmem>> -> memref<1x1x96xi32, #tpu.memory_space<vmem>>
      %dma_wait3A_64 = tpu.memref_squeeze %dma_wait3A_63 : memref<1x1x96xi32, #tpu.memory_space<vmem>> -> memref<96xi32, #tpu.memory_space<vmem>>
      %dma_wait3A_65 = arith.constant 0 : i32
      %dma_wait3A_66 = arith.constant 0 : i32
      %dma_wait3A_67 = tpu.memref_slice %arg13[%dma_wait3A_65, %dma_wait3A_66] : memref<10112x128xf32, #tpu.memory_space<vmem_shared>> -> memref<10112x128xf32, #tpu.memory_space<vmem_shared>>
      tpu.wait_indirect_dma semaphore(%run_scoped3A_55 : memref<!tpu.dma_semaphore, #tpu.memory_space<semaphore_mem>>) src(%arg15 : memref<96x128xf32, #tpu.memory_space<vmem>>) dst(%dma_wait3A_67 : memref<10112x128xf32, #tpu.memory_space<vmem_shared>>)
      tpu.yield
    }) : () -> ()
    %run_scoped3A_47 = arith.constant 104 : i32
    %run_scoped3A_48 = arith.constant 0 : i32
    "tpu.region"() ({
      %run_scoped3A_55 = tpu.sem_alloc : memref<!tpu.dma_semaphore, #tpu.memory_space<semaphore_mem>>
      %dma_start3A_56 = arith.constant 0 : i32
      %dma_start3A_57 = tpu.memref_slice %arg11[%run_scoped3A_47, %run_scoped3A_48, %dma_start3A_56] : memref<105x1x96xi32, #tpu.memory_space<vmem>> -> memref<1x1x96xi32, #tpu.memory_space<vmem>>
      %dma_start3A_58 = tpu.memref_squeeze %dma_start3A_57 : memref<1x1x96xi32, #tpu.memory_space<vmem>> -> memref<96xi32, #tpu.memory_space<vmem>>
      %dma_start3A_59 = arith.constant 0 : i32
      %dma_start3A_60 = tpu.memref_slice %arg14[%dma_start3A_59] : memref<10112xf32, #tpu.memory_space<vmem_shared>> -> memref<10112xf32, #tpu.memory_space<vmem_shared>>
      tpu.enqueue_indirect_dma source(%arg12 : memref<96xf32, #tpu.memory_space<vmem>>) target(%dma_start3A_60 : memref<10112xf32, #tpu.memory_space<vmem_shared>>) offsets(%dma_start3A_58 : memref<96xi32, #tpu.memory_space<vmem>>) semaphore(%run_scoped3A_55 : memref<!tpu.dma_semaphore, #tpu.memory_space<semaphore_mem>>) {add = true}
      %dma_wait3A_61 = arith.constant 0 : i32
      %dma_wait3A_62 = tpu.memref_slice %arg11[%run_scoped3A_47, %run_scoped3A_48, %dma_wait3A_61] : memref<105x1x96xi32, #tpu.memory_space<vmem>> -> memref<1x1x96xi32, #tpu.memory_space<vmem>>
      %dma_wait3A_63 = tpu.memref_squeeze %dma_wait3A_62 : memref<1x1x96xi32, #tpu.memory_space<vmem>> -> memref<96xi32, #tpu.memory_space<vmem>>
      %dma_wait3A_64 = arith.constant 0 : i32
      %dma_wait3A_65 = tpu.memref_slice %arg14[%dma_wait3A_64] : memref<10112xf32, #tpu.memory_space<vmem_shared>> -> memref<10112xf32, #tpu.memory_space<vmem_shared>>
      tpu.wait_indirect_dma semaphore(%run_scoped3A_55 : memref<!tpu.dma_semaphore, #tpu.memory_space<semaphore_mem>>) src(%arg12 : memref<96xf32, #tpu.memory_space<vmem>>) dst(%dma_wait3A_65 : memref<10112xf32, #tpu.memory_space<vmem_shared>>)
      tpu.yield
    }) : () -> ()
    %barrier3A_49 = arith.constant 0 : index
    tpu.barrier barrier_id(%barrier3A_49)
    "tpu.region"() ({
      %run_scoped3A_55 = tpu.sem_alloc : memref<!tpu.dma_semaphore, #tpu.memory_space<semaphore_mem>>
      %dma_start3A_56 = arith.constant 0 : i32
      %dma_start3A_57 = tpu.memref_slice %arg8[%arg0, %mul3A_4, %dma_start3A_56] : memref<2x10112x128xf32, #tpu.memory_space<hbm>> -> memref<1x632x128xf32, #tpu.memory_space<hbm>>
      %dma_start3A_58 = tpu.memref_squeeze %dma_start3A_57 : memref<1x632x128xf32, #tpu.memory_space<hbm>> -> memref<632x128xf32, #tpu.memory_space<hbm>>
      %dma_start3A_59 = arith.constant 0 : i32
      %dma_start3A_60 = tpu.memref_slice %arg13[%mul3A_4, %dma_start3A_59] : memref<10112x128xf32, #tpu.memory_space<vmem_shared>> -> memref<632x128xf32, #tpu.memory_space<vmem_shared>>
      tpu.enqueue_dma source(%dma_start3A_60 : memref<632x128xf32, #tpu.memory_space<vmem_shared>>) target(%dma_start3A_58 : memref<632x128xf32, #tpu.memory_space<hbm>>) target_semaphore(%run_scoped3A_55 : memref<!tpu.dma_semaphore, #tpu.memory_space<semaphore_mem>>)
      %dma_wait3A_61 = arith.constant 0 : i32
      %dma_wait3A_62 = tpu.memref_slice %arg8[%arg0, %mul3A_4, %dma_wait3A_61] : memref<2x10112x128xf32, #tpu.memory_space<hbm>> -> memref<1x632x128xf32, #tpu.memory_space<hbm>>
      %dma_wait3A_63 = tpu.memref_squeeze %dma_wait3A_62 : memref<1x632x128xf32, #tpu.memory_space<hbm>> -> memref<632x128xf32, #tpu.memory_space<hbm>>
      %dma_wait3A_64 = arith.constant 0 : i32
      %dma_wait3A_65 = tpu.memref_slice %arg13[%mul3A_4, %dma_wait3A_64] : memref<10112x128xf32, #tpu.memory_space<vmem_shared>> -> memref<632x128xf32, #tpu.memory_space<vmem_shared>>
      tpu.wait_dma2 semaphore(%run_scoped3A_55 : memref<!tpu.dma_semaphore, #tpu.memory_space<semaphore_mem>>) src(%dma_wait3A_65 : memref<632x128xf32, #tpu.memory_space<vmem_shared>>) dst(%dma_wait3A_63 : memref<632x128xf32, #tpu.memory_space<hbm>>)
      tpu.yield
    }) : () -> ()
    %eq3A_50 = arith.constant 0 : i32
    %eq3A_51 = arith.cmpi eq, %arg1, %eq3A_50 : i32
    %convert_element_type3A_52 = arith.extui %eq3A_51 : i1 to i32
    %cond3A_53 = arith.constant 0 : i32
    %cond3A_54 = arith.cmpi ne, %convert_element_type3A_52, %cond3A_53 : i32
    scf.if %cond3A_54 {
      %run_scoped3A_55 = arith.constant 0 : i32
      "tpu.region"() ({
        %run_scoped3A_56 = tpu.sem_alloc : memref<!tpu.dma_semaphore, #tpu.memory_space<semaphore_mem>>
        %dma_start3A_57 = arith.constant 0 : i32
        %dma_start3A_58 = tpu.memref_slice %arg9[%arg0, %run_scoped3A_55, %dma_start3A_57] : memref<2x1x10112xf32, #tpu.memory_space<hbm>> -> memref<1x1x10112xf32, #tpu.memory_space<hbm>>
        %dma_start3A_59 = tpu.memref_squeeze %dma_start3A_58 : memref<1x1x10112xf32, #tpu.memory_space<hbm>> -> memref<10112xf32, #tpu.memory_space<hbm>>
        tpu.enqueue_dma source(%arg14 : memref<10112xf32, #tpu.memory_space<vmem_shared>>) target(%dma_start3A_59 : memref<10112xf32, #tpu.memory_space<hbm>>) target_semaphore(%run_scoped3A_56 : memref<!tpu.dma_semaphore, #tpu.memory_space<semaphore_mem>>)
        %dma_wait3A_60 = arith.constant 0 : i32
        %dma_wait3A_61 = tpu.memref_slice %arg9[%arg0, %run_scoped3A_55, %dma_wait3A_60] : memref<2x1x10112xf32, #tpu.memory_space<hbm>> -> memref<1x1x10112xf32, #tpu.memory_space<hbm>>
        %dma_wait3A_62 = tpu.memref_squeeze %dma_wait3A_61 : memref<1x1x10112xf32, #tpu.memory_space<hbm>> -> memref<10112xf32, #tpu.memory_space<hbm>>
        tpu.wait_dma2 semaphore(%run_scoped3A_56 : memref<!tpu.dma_semaphore, #tpu.memory_space<semaphore_mem>>) src(%arg14 : memref<10112xf32, #tpu.memory_space<vmem_shared>>) dst(%dma_wait3A_62 : memref<10112xf32, #tpu.memory_space<hbm>>)
        tpu.yield
      }) : () -> ()
    } else {
    }
    return
  }
}

module attributes {stable_mosaic.version = 14 : i64} {
  func.func @_tc_layer_body(%arg0: i32, %arg1: memref<2x2000x128xf32, #tpu.memory_space<vmem>>, %arg2: memref<2x1x1x2000xf32, #tpu.memory_space<vmem>>, %arg3: memref<2000x128xf32, #tpu.memory_space<vmem>>, %arg4: memref<128x128xf32, #tpu.memory_space<vmem>>, %arg5: memref<128x128xf32, #tpu.memory_space<vmem>>, %arg6: memref<2000x128xf32, #tpu.memory_space<vmem>>) attributes {dimension_semantics = [#tpu.dimension_semantics<arbitrary>], iteration_bounds = array<i64: 5>, scalar_prefetch = 0 : i64, scratch_operands = 0 : i64, tpu.core_type = #tpu.core_type<tc>, window_params = [{transform_indices = @transform_0, window_bounds = array<i64: 2, 2000, 128>}, {transform_indices = @transform_1, window_bounds = array<i64: 2, 1, 1, 2000>}, {transform_indices = @transform_2, window_bounds = array<i64: 2000, 128>}, {pipeline_mode = #tpu.pipeline_mode<synchronous>, transform_indices = @transform_3, window_bounds = array<i64: 128, 128>}, {pipeline_mode = #tpu.pipeline_mode<synchronous>, transform_indices = @transform_4, window_bounds = array<i64: 128, 128>}, {transform_indices = @transform_5, window_bounds = array<i64: 2000, 128>}]} {
    %get3A = arith.constant 0 : index
    %get3A_0 = arith.constant 0 : index
    %get3A_1 = arith.constant 0 : index
    %get3A_2 = vector.load %arg1[%get3A, %get3A_0, %get3A_1] : memref<2x2000x128xf32, #tpu.memory_space<vmem>>, vector<1x2000x128xf32>
    %get3A_3 = vector.shape_cast %get3A_2 : vector<1x2000x128xf32> to vector<2000x128xf32>
    %get3A_4 = arith.constant 1 : index
    %get3A_5 = arith.constant 0 : index
    %get3A_6 = arith.constant 0 : index
    %get3A_7 = vector.load %arg1[%get3A_4, %get3A_5, %get3A_6] : memref<2x2000x128xf32, #tpu.memory_space<vmem>>, vector<1x2000x128xf32>
    %get3A_8 = vector.shape_cast %get3A_7 : vector<1x2000x128xf32> to vector<2000x128xf32>
    %add3A = arith.addf %get3A_3, %get3A_8 : vector<2000x128xf32>
    %get3A_9 = arith.constant 0 : index
    %get3A_10 = arith.constant 0 : index
    %get3A_11 = arith.constant 0 : index
    %get3A_12 = arith.constant 0 : index
    %get3A_13 = vector.load %arg2[%get3A_9, %get3A_10, %get3A_11, %get3A_12] : memref<2x1x1x2000xf32, #tpu.memory_space<vmem>>, vector<1x1x1x2000xf32>
    %get3A_14 = vector.shape_cast %get3A_13 : vector<1x1x1x2000xf32> to vector<2000xf32>
    %get3A_15 = arith.constant 1 : index
    %get3A_16 = arith.constant 0 : index
    %get3A_17 = arith.constant 0 : index
    %get3A_18 = arith.constant 0 : index
    %get3A_19 = vector.load %arg2[%get3A_15, %get3A_16, %get3A_17, %get3A_18] : memref<2x1x1x2000xf32, #tpu.memory_space<vmem>>, vector<1x1x1x2000xf32>
    %get3A_20 = vector.shape_cast %get3A_19 : vector<1x1x1x2000xf32> to vector<2000xf32>
    %add3A_21 = arith.addf %get3A_14, %get3A_20 : vector<2000xf32>
    %max3A = arith.constant 1.000000e+00 : f32
    %max3A_22 = vector.broadcast %max3A : f32 to vector<2000xf32>
    %max3A_23 = arith.maximumf %add3A_21, %max3A_22 : vector<2000xf32>
    %div3A = arith.constant 1.000000e+00 : f32
    %div3A_24 = vector.broadcast %div3A : f32 to vector<2000xf32>
    %div3A_25 = arith.divf %div3A_24, %max3A_23 : vector<2000xf32>
    %broadcast_in_dim3A = vector.shape_cast %div3A_25 : vector<2000xf32> to vector<2000x1xf32>
    %mul3A = vector.broadcast %broadcast_in_dim3A : vector<2000x1xf32> to vector<2000x128xf32>
    %mul3A_26 = arith.mulf %add3A, %mul3A : vector<2000x128xf32>
    %get3A_27 = arith.constant 0 : index
    %get3A_28 = arith.constant 0 : index
    %get3A_29 = vector.load %arg4[%get3A_27, %get3A_28] : memref<128x128xf32, #tpu.memory_space<vmem>>, vector<128x128xf32>
    %dot_general3A = arith.constant dense<0.000000e+00> : vector<2000x128xf32>
    %dot_general3A_30 = tpu.matmul %mul3A_26, %get3A_29, %dot_general3A {dimension_numbers = #tpu.dot_dimension_numbers<[1], [1], [0], [0], [0, 0, 1, 0], [], []>, transpose_lhs_hint = false} : vector<2000x128xf32>, vector<128x128xf32>, vector<2000x128xf32> -> vector<2000x128xf32>
    %get3A_31 = arith.constant 0 : index
    %get3A_32 = arith.constant 0 : index
    %get3A_33 = vector.load %arg3[%get3A_31, %get3A_32] : memref<2000x128xf32, #tpu.memory_space<vmem>>, vector<2000x128xf32>
    %get3A_34 = arith.constant 0 : index
    %get3A_35 = arith.constant 0 : index
    %get3A_36 = vector.load %arg5[%get3A_34, %get3A_35] : memref<128x128xf32, #tpu.memory_space<vmem>>, vector<128x128xf32>
    %dot_general3A_37 = arith.constant dense<0.000000e+00> : vector<2000x128xf32>
    %dot_general3A_38 = tpu.matmul %get3A_33, %get3A_36, %dot_general3A_37 {dimension_numbers = #tpu.dot_dimension_numbers<[1], [1], [0], [0], [0, 0, 1, 0], [], []>, transpose_lhs_hint = false} : vector<2000x128xf32>, vector<128x128xf32>, vector<2000x128xf32> -> vector<2000x128xf32>
    %add3A_39 = arith.addf %dot_general3A_30, %dot_general3A_38 : vector<2000x128xf32>
    %max3A_40 = arith.constant 0.000000e+00 : f32
    %max3A_41 = vector.broadcast %max3A_40 : f32 to vector<2000x128xf32>
    %max3A_42 = arith.maximumf %add3A_39, %max3A_41 : vector<2000x128xf32>
    %swap3A = arith.constant 0 : index
    %swap3A_43 = arith.constant 0 : index
    %swap3A_44 = vector.load %arg6[%swap3A, %swap3A_43] : memref<2000x128xf32, #tpu.memory_space<vmem>>, vector<2000x128xf32>
    tpu.vector_store %arg6[%swap3A, %swap3A_43], %max3A_42 {strides = array<i32>} : memref<2000x128xf32, #tpu.memory_space<vmem>>, vector<2000x128xf32>,
    return
  }
  func.func @transform_0(%arg0: i32) -> (i32, i32, i32) {
    %c0_i32 = arith.constant 0 : i32
    %c0_i32_0 = arith.constant 0 : i32
    %c0_i32_1 = arith.constant 0 : i32
    return %c0_i32, %arg0, %c0_i32_0 : i32, i32, i32
  }
  func.func @transform_1(%arg0: i32) -> (i32, i32, i32, i32) {
    %c0_i32 = arith.constant 0 : i32
    %c0_i32_0 = arith.constant 0 : i32
    %c0_i32_1 = arith.constant 0 : i32
    %c0_i32_2 = arith.constant 0 : i32
    return %c0_i32, %arg0, %c0_i32_0, %c0_i32_1 : i32, i32, i32, i32
  }
  func.func @transform_2(%arg0: i32) -> (i32, i32) {
    %c0_i32 = arith.constant 0 : i32
    %c0_i32_0 = arith.constant 0 : i32
    return %arg0, %c0_i32 : i32, i32
  }
  func.func @transform_3(%arg0: i32) -> (i32, i32) {
    %c0_i32 = arith.constant 0 : i32
    %c0_i32_0 = arith.constant 0 : i32
    %c0_i32_1 = arith.constant 0 : i32
    return %c0_i32, %c0_i32_0 : i32, i32
  }
  func.func @transform_4(%arg0: i32) -> (i32, i32) {
    %c0_i32 = arith.constant 0 : i32
    %c0_i32_0 = arith.constant 0 : i32
    %c0_i32_1 = arith.constant 0 : i32
    return %c0_i32, %c0_i32_0 : i32, i32
  }
  func.func @transform_5(%arg0: i32) -> (i32, i32) {
    %c0_i32 = arith.constant 0 : i32
    %c0_i32_0 = arith.constant 0 : i32
    return %arg0, %c0_i32 : i32, i32
  }
}

module attributes {stable_mosaic.version = 14 : i64} {
  func.func @_tc_layer_body(%arg0: i32, %arg1: memref<2x2000x128xf32, #tpu.memory_space<vmem>>, %arg2: memref<2x1x1x2000xf32, #tpu.memory_space<vmem>>, %arg3: memref<2000x128xf32, #tpu.memory_space<vmem>>, %arg4: memref<128x128xf32, #tpu.memory_space<vmem>>, %arg5: memref<128x128xf32, #tpu.memory_space<vmem>>, %arg6: memref<2000x128xf32, #tpu.memory_space<vmem>>) attributes {dimension_semantics = [#tpu.dimension_semantics<arbitrary>], iteration_bounds = array<i64: 5>, scalar_prefetch = 0 : i64, scratch_operands = 0 : i64, tpu.core_type = #tpu.core_type<tc>, window_params = [{transform_indices = @transform_0, window_bounds = array<i64: 2, 2000, 128>}, {transform_indices = @transform_1, window_bounds = array<i64: 2, 1, 1, 2000>}, {transform_indices = @transform_2, window_bounds = array<i64: 2000, 128>}, {pipeline_mode = #tpu.pipeline_mode<synchronous>, transform_indices = @transform_3, window_bounds = array<i64: 128, 128>}, {pipeline_mode = #tpu.pipeline_mode<synchronous>, transform_indices = @transform_4, window_bounds = array<i64: 128, 128>}, {transform_indices = @transform_5, window_bounds = array<i64: 2000, 128>}]} {
    %get3A = arith.constant 0 : index
    %get3A_0 = arith.constant 0 : index
    %get3A_1 = arith.constant 0 : index
    %get3A_2 = vector.load %arg1[%get3A, %get3A_0, %get3A_1] : memref<2x2000x128xf32, #tpu.memory_space<vmem>>, vector<1x2000x128xf32>
    %get3A_3 = vector.shape_cast %get3A_2 : vector<1x2000x128xf32> to vector<2000x128xf32>
    %get3A_4 = arith.constant 1 : index
    %get3A_5 = arith.constant 0 : index
    %get3A_6 = arith.constant 0 : index
    %get3A_7 = vector.load %arg1[%get3A_4, %get3A_5, %get3A_6] : memref<2x2000x128xf32, #tpu.memory_space<vmem>>, vector<1x2000x128xf32>
    %get3A_8 = vector.shape_cast %get3A_7 : vector<1x2000x128xf32> to vector<2000x128xf32>
    %add3A = arith.addf %get3A_3, %get3A_8 : vector<2000x128xf32>
    %get3A_9 = arith.constant 0 : index
    %get3A_10 = arith.constant 0 : index
    %get3A_11 = arith.constant 0 : index
    %get3A_12 = arith.constant 0 : index
    %get3A_13 = vector.load %arg2[%get3A_9, %get3A_10, %get3A_11, %get3A_12] : memref<2x1x1x2000xf32, #tpu.memory_space<vmem>>, vector<1x1x1x2000xf32>
    %get3A_14 = vector.shape_cast %get3A_13 : vector<1x1x1x2000xf32> to vector<2000xf32>
    %get3A_15 = arith.constant 1 : index
    %get3A_16 = arith.constant 0 : index
    %get3A_17 = arith.constant 0 : index
    %get3A_18 = arith.constant 0 : index
    %get3A_19 = vector.load %arg2[%get3A_15, %get3A_16, %get3A_17, %get3A_18] : memref<2x1x1x2000xf32, #tpu.memory_space<vmem>>, vector<1x1x1x2000xf32>
    %get3A_20 = vector.shape_cast %get3A_19 : vector<1x1x1x2000xf32> to vector<2000xf32>
    %add3A_21 = arith.addf %get3A_14, %get3A_20 : vector<2000xf32>
    %max3A = arith.constant 1.000000e+00 : f32
    %max3A_22 = vector.broadcast %max3A : f32 to vector<2000xf32>
    %max3A_23 = arith.maximumf %add3A_21, %max3A_22 : vector<2000xf32>
    %div3A = arith.constant 1.000000e+00 : f32
    %div3A_24 = vector.broadcast %div3A : f32 to vector<2000xf32>
    %div3A_25 = arith.divf %div3A_24, %max3A_23 : vector<2000xf32>
    %broadcast_in_dim3A = vector.shape_cast %div3A_25 : vector<2000xf32> to vector<2000x1xf32>
    %mul3A = vector.broadcast %broadcast_in_dim3A : vector<2000x1xf32> to vector<2000x128xf32>
    %mul3A_26 = arith.mulf %add3A, %mul3A : vector<2000x128xf32>
    %get3A_27 = arith.constant 0 : index
    %get3A_28 = arith.constant 0 : index
    %get3A_29 = vector.load %arg4[%get3A_27, %get3A_28] : memref<128x128xf32, #tpu.memory_space<vmem>>, vector<128x128xf32>
    %dot_general3A = arith.constant dense<0.000000e+00> : vector<2000x128xf32>
    %dot_general3A_30 = tpu.matmul %mul3A_26, %get3A_29, %dot_general3A {dimension_numbers = #tpu.dot_dimension_numbers<[1], [1], [0], [0], [0, 0, 1, 0], [], []>, transpose_lhs_hint = false} : vector<2000x128xf32>, vector<128x128xf32>, vector<2000x128xf32> -> vector<2000x128xf32>
    %get3A_31 = arith.constant 0 : index
    %get3A_32 = arith.constant 0 : index
    %get3A_33 = vector.load %arg3[%get3A_31, %get3A_32] : memref<2000x128xf32, #tpu.memory_space<vmem>>, vector<2000x128xf32>
    %get3A_34 = arith.constant 0 : index
    %get3A_35 = arith.constant 0 : index
    %get3A_36 = vector.load %arg5[%get3A_34, %get3A_35] : memref<128x128xf32, #tpu.memory_space<vmem>>, vector<128x128xf32>
    %dot_general3A_37 = arith.constant dense<0.000000e+00> : vector<2000x128xf32>
    %dot_general3A_38 = tpu.matmul %get3A_33, %get3A_36, %dot_general3A_37 {dimension_numbers = #tpu.dot_dimension_numbers<[1], [1], [0], [0], [0, 0, 1, 0], [], []>, transpose_lhs_hint = false} : vector<2000x128xf32>, vector<128x128xf32>, vector<2000x128xf32> -> vector<2000x128xf32>
    %add3A_39 = arith.addf %dot_general3A_30, %dot_general3A_38 : vector<2000x128xf32>
    %reduce_max3A = arith.constant dense<0xFF800000> : vector<2000xf32>
    %reduce_max3A_40 = vector.multi_reduction <maximumf>, %add3A_39, %reduce_max3A [1] : vector<2000x128xf32> to vector<2000xf32>
    %broadcast_in_dim3A_41 = vector.shape_cast %reduce_max3A_40 : vector<2000xf32> to vector<2000x1xf32>
    %sub3A = vector.broadcast %broadcast_in_dim3A_41 : vector<2000x1xf32> to vector<2000x128xf32>
    %sub3A_42 = arith.subf %add3A_39, %sub3A : vector<2000x128xf32>
    %sub3A_43 = vector.broadcast %broadcast_in_dim3A_41 : vector<2000x1xf32> to vector<2000x128xf32>
    %sub3A_44 = arith.subf %add3A_39, %sub3A_43 : vector<2000x128xf32>
    %exp3A = math.exp %sub3A_44 : vector<2000x128xf32>
    %reduce_sum3A = arith.constant dense<0.000000e+00> : vector<2000xf32>
    %reduce_sum3A_45 = vector.multi_reduction <add>, %exp3A, %reduce_sum3A [1] : vector<2000x128xf32> to vector<2000xf32>
    %broadcast_in_dim3A_46 = vector.shape_cast %reduce_sum3A_45 : vector<2000xf32> to vector<2000x1xf32>
    %log3A = math.log %broadcast_in_dim3A_46 : vector<2000x1xf32>
    %sub3A_47 = vector.broadcast %log3A : vector<2000x1xf32> to vector<2000x128xf32>
    %sub3A_48 = arith.subf %sub3A_42, %sub3A_47 : vector<2000x128xf32>
    %swap3A = arith.constant 0 : index
    %swap3A_49 = arith.constant 0 : index
    %swap3A_50 = vector.load %arg6[%swap3A, %swap3A_49] : memref<2000x128xf32, #tpu.memory_space<vmem>>, vector<2000x128xf32>
    tpu.vector_store %arg6[%swap3A, %swap3A_49], %sub3A_48 {strides = array<i32>} : memref<2000x128xf32, #tpu.memory_space<vmem>>, vector<2000x128xf32>,
    return
  }
  func.func @transform_0(%arg0: i32) -> (i32, i32, i32) {
    %c0_i32 = arith.constant 0 : i32
    %c0_i32_0 = arith.constant 0 : i32
    %c0_i32_1 = arith.constant 0 : i32
    return %c0_i32, %arg0, %c0_i32_0 : i32, i32, i32
  }
  func.func @transform_1(%arg0: i32) -> (i32, i32, i32, i32) {
    %c0_i32 = arith.constant 0 : i32
    %c0_i32_0 = arith.constant 0 : i32
    %c0_i32_1 = arith.constant 0 : i32
    %c0_i32_2 = arith.constant 0 : i32
    return %c0_i32, %arg0, %c0_i32_0, %c0_i32_1 : i32, i32, i32, i32
  }
  func.func @transform_2(%arg0: i32) -> (i32, i32) {
    %c0_i32 = arith.constant 0 : i32
    %c0_i32_0 = arith.constant 0 : i32
    return %arg0, %c0_i32 : i32, i32
  }
  func.func @transform_3(%arg0: i32) -> (i32, i32) {
    %c0_i32 = arith.constant 0 : i32
    %c0_i32_0 = arith.constant 0 : i32
    %c0_i32_1 = arith.constant 0 : i32
    return %c0_i32, %c0_i32_0 : i32, i32
  }
  func.func @transform_4(%arg0: i32) -> (i32, i32) {
    %c0_i32 = arith.constant 0 : i32
    %c0_i32_0 = arith.constant 0 : i32
    %c0_i32_1 = arith.constant 0 : i32
    return %c0_i32, %c0_i32_0 : i32, i32
  }
  func.func @transform_5(%arg0: i32) -> (i32, i32) {
    %c0_i32 = arith.constant 0 : i32
    %c0_i32_0 = arith.constant 0 : i32
    return %arg0, %c0_i32 : i32, i32
  }
}

</mosaic_0001>

<sc_bundles>
// kernel: kernel.6.cloned.1.call-start
scs
__scs_entry_jumppad:
0x0: {  	(pc) =	sbr.rel $0x88, $3  }
0x1: {  	(tag) =	ssettag $0x0;
	lr =	simm.s32 $0x1  }
0x2: {  	[smem:$0x3F9B] =	sst lr;
	_ =	strace $0xD0000000  }
0x3: {  	_ = 	snop  }
0x4: {  	_ = 	snop  }
0x5: {  	_ = 	snop  }
0x6: {  	_ = 	snop  }
0x7: {  	_ = 	snop  }
__scs_overlays_trampoline_lowered:
0x8: {  	[smem:$0x3FAA] =	sst s0  }
0x9: {  	[smem:$0x3FAB] =	sst s1  }
0xa: {  	[smem:$0x3FAC] =	sst s2  }
0xb: {  	[smem:$0x3FAD] =	sst s3  }
0xc: {  	[smem:$0x3FAE] =	sst s4  }
0xd: {  	[smem:$0x3FAF] =	sst s5  }
0xe: {  	[smem:$0x3FB0] =	sst s6  }
0xf: {  	[smem:$0x3FB1] =	sst s7  }
0x10: {  	[smem:$0x3FB2] =	sst s8  }
0x11: {  	[smem:$0x3FB3] =	sst s9;
	s0 =	simm.s32 @!p0 $0x0  }
0x12: {  	s1 =	sld [smem:$0x3F99];
	s0 =	simm.s32 @p0 $0x1  }
0x13: {  	[smem:$0x3FB4] =	sst s0;
	s0 =	simm.s32 @!p1 $0x0  }
0x14: {  	s2 =	sld [smem:$0x3F98];
	s0 =	simm.s32 @p1 $0x1  }
0x15: {  	[smem:$0x3FB5] =	sst s0;
	s0 =	simm.s32 @!p2 $0x0  }
0x16: {  	s3 =	sld [smem:$0x3FDB];
	s0 =	simm.s32 @p2 $0x1  }
0x17: {  	s4 =	simm.s32 $0x1BF5;
	[smem:$0x3FB7] =	sst s0  }
0x18: {  	s0 =	sld [smem:$0x3F9A];
	_ =	swait.ge [sflag:s4], $0x0  }
0x19: {  	s7 =	sld [smem:$0x3F9B]  }
0x1a: {  	s8 =	sadd.s32 $0xFFFFE003, lr  }
0x1b: {  	s9 =	sadd.s32 $0xFFFFFEF7, lr;
	s5 =	simm.s32 $0xFFFFFFFF;
	p2 =	slt.u32 s8, $0xFFFFF086  }
0x1c: {  	p1 =	slt.u32 s9, $0xF7A;
	s5 =	simm.s32 @!p2 $0x0  }
0x1d: {  	s5 =	simm.s32 @p1 $0x1;
	p0 =	seq.s32 s7, s2  }
0x1e: {  	s7 =	smul.u32 @!p0 $0xF7A, s2;
	p2 =	seq.s32 @!p0 s5, $0x0  }
0x1f: {  	s9 =	smul.u32 $0xF7A, s1;
	s8 =	simm.s32 @!p0 $0x1BF5;
	p2 =	por !p2, p0  }
0x20: {  	[sflag:s8] =	ssyncset.s32 @!p0 $0xFFFFF086;
	s6 =	sadd.s32 @!p0 s3, s7;
	s7 =	simm.s32 @!p0 $0x108  }
0x21: {  	s3 =	sadd.s32 s3, s9;
	s6 =	sadd.s32 @!p0 $0x88, s6;
	s7 =	simm.s32 @p2 $0x1082  }
0x22: {  	[simem:s7], [sflag:s8] =	dma.local @!p0 [hbm:s6], $0xF7A  }
0x23: {  	s9 =	sor.u32 $0xD0000000, s2;
	s6 =	simm.s32 $0x108;
	_ =	swait.ge @!p0 [sflag:s8], $0x0  }
0x24: {  	s3 =	sadd.s32 $0x88, s3;
	s6 =	simm.s32 @!p1 $0x1082;
	[sflag:s4] =	ssyncset.s32 $0xFFFFF086  }
0x25: {  	[simem:s6], [sflag:s4] =	dma.local [hbm:s3], $0xF7A  }
0x26: {  	[smem:$0x3F9B] =	sst s1;
	(tag) =	ssettag s2;
	_ =	strace s9  }
0x27: {  	s1 =	sld [smem:$0x3FAB]  }
0x28: {  	s2 =	sld [smem:$0x3FAC]  }
0x29: {  	s4 =	sld [smem:$0x3FAE]  }
0x2a: {  	p0 =	seq.s32 s5, $0x0;
	s5 =	sld [smem:$0x3FAF]  }
0x2b: {  	s6 =	sld [smem:$0x3FB0]  }
0x2c: {  	s7 =	sld [smem:$0x3FB1]  }
0x2d: {  	s3 =	simm.s32 $0x108;
	s8 =	sld [smem:$0x3FB2]  }
0x2e: {  	s3 =	simm.s32 @!p0 $0x1082;
	s9 =	sld [smem:$0x3FB3]  }
0x2f: {  	lr =	sadd.s32 s0, s3;
	s0 =	sld [smem:$0x3FAA]  }
0x30: {  	s3 =	sld [smem:$0x3FAD]  }
0x31: {  	[smem:$0x3FB6] =	sst s10  }
0x32: {  	s10 =	sld [smem:$0x3FB4];
	_ =	sdelay $0x3  }
0x33: {  	p0 =	seq.s32 s10, $0x1;
	s10 =	sld [smem:$0x3FB6];
	_ =	sdelay $0x3  }
0x34: {  	[smem:$0x3FB6] =	sst s10  }
0x35: {  	s10 =	sld [smem:$0x3FB5];
	_ =	sdelay $0x3  }
0x36: {  	p1 =	seq.s32 s10, $0x1;
	s10 =	sld [smem:$0x3FB6];
	_ =	sdelay $0x3  }
0x37: {  	[smem:$0x3FB6] =	sst s10  }
0x38: {  	s10 =	sld [smem:$0x3FB7]  }
0x39: {  	_ = 	snop;
	(pc) =	sbr.ind lr, $3  }
0x3a: {  	_ = 	snop  }
0x3b: {  	_ = 	snop  }
0x3c: {  	p2 =	seq.s32 s10, $0x1;
	s10 =	sld [smem:$0x3FB6]  }
0x3d: {  	_ =	shalt  }
0x3e: {  	_ =	shalt  }
0x3f: {  	_ =	shalt  }
0x40: {  	_ =	shalt  }
0x41: {  	_ =	shalt  }
0x42: {  	_ =	shalt  }
0x43: {  	_ =	shalt  }
0x44: {  	_ =	shalt  }
0x45: {  	_ =	shalt  }
0x46: {  	_ =	shalt  }
0x47: {  	_ =	shalt  }
0x48: {  	_ =	shalt  }
0x49: {  	_ =	shalt  }
0x4a: {  	_ =	shalt  }
0x4b: {  	_ =	shalt  }
0x4c: {  	_ =	shalt  }
0x4d: {  	_ =	shalt  }
0x4e: {  	_ =	shalt  }
0x4f: {  	_ =	shalt  }
0x50: {  	_ =	shalt  }
0x51: {  	_ =	shalt  }
0x52: {  	_ =	shalt  }
0x53: {  	_ =	shalt  }
0x54: {  	_ =	shalt  }
0x55: {  	_ =	shalt  }
0x56: {  	_ =	shalt  }
0x57: {  	_ =	shalt  }
0x58: {  	_ =	shalt  }
0x59: {  	_ =	shalt  }
0x5a: {  	_ =	shalt  }
0x5b: {  	_ =	shalt  }
0x5c: {  	_ =	shalt  }
0x5d: {  	_ =	shalt  }
0x5e: {  	_ =	shalt  }
0x5f: {  	_ =	shalt  }
0x60: {  	_ =	shalt  }
0x61: {  	_ =	shalt  }
0x62: {  	_ =	shalt  }
0x63: {  	_ =	shalt  }
0x64: {  	_ =	shalt  }
0x65: {  	_ =	shalt  }
0x66: {  	_ =	shalt  }
0x67: {  	_ =	shalt  }
0x68: {  	_ =	shalt  }
0x69: {  	_ =	shalt  }
0x6a: {  	_ =	shalt  }
0x6b: {  	_ =	shalt  }
0x6c: {  	_ =	shalt  }
0x6d: {  	_ =	shalt  }
0x6e: {  	_ =	shalt  }
0x6f: {  	_ =	shalt  }
0x70: {  	_ =	shalt  }
0x71: {  	_ =	shalt  }
0x72: {  	_ =	shalt  }
0x73: {  	_ =	shalt  }
0x74: {  	_ =	shalt  }
0x75: {  	_ =	shalt  }
0x76: {  	_ =	shalt  }
0x77: {  	_ =	shalt  }
0x78: {  	_ =	shalt  }
0x79: {  	_ =	shalt  }
0x7a: {  	_ =	shalt  }
0x7b: {  	_ =	shalt  }
0x7c: {  	_ =	shalt  }
0x7d: {  	_ =	shalt  }
0x7e: {  	_ =	shalt  }
0x7f: {  	_ =	shalt  }
0x80: {  	_ =	shalt  }
0x81: {  	_ =	shalt  }
0x82: {  	_ =	shalt  }
0x83: {  	_ =	shalt  }
0x84: {  	_ =	shalt  }
0x85: {  	_ =	shalt  }
0x86: {  	_ =	shalt  }
0x87: {  	_ =	shalt  }
.Lfunc_end0:
.L_simem_size_0:
called_computation_lowered:
.L_overlay_start_0:
0x88: {  	s2 =	sld [smem:$0x3FD9]  }
0x89: {  	s3 =	sld [smem:$0x3FFE];
	_ =	sdelay $0x1  }
0x8a: {  	s1 =	srdreg.scid  }
0x8b: {  	s0 =	sand.u32 $0x1, s1  }
0x8c: {  	s17 =	sshll.u32 s0, $0xA;
	s2 =	sadd.s32 s3, s2  }
0x8d: {  	s2 =	sadd.s32 s2, s17  }
0x8e: {  	[smem:$0x3FC2] =	sst s2  }
0x8f: {  	_ = 	snop  }
0x90: {  	s2 =	sld [smem:$0x3FC9]  }
0x91: {  	s18 =	sld [smem:$0x3FD0];
	(tm) =	ssettm $0x1  }
0x92: {  	s4 =	sld [smem:$0x3FFB];
	_ =	sdelay $0x3  }
0x93: {  	_ =	strace s4  }
0x94: {  	s4 =	sld [smem:$0x3FFC];
	_ =	sdelay $0x3  }
0x95: {  	_ =	strace s4  }
0x96: {  	s4 =	sld [smem:$0x3FFD];
	_ =	sdelay $0x3  }
0x97: {  	_ =	strace s4  }
0x98: {  	_ =	strace $0x8FFFFFFF  }
0x99: {  	s19 =	sld [smem:$0x3FDB];
	_ =	sdelay $0x1  }
0x9a: {  	s5 =	simm.s32 $_scs_section_size  }
0x9b: {  	s6 =	simm.s32 $_size__tile_overlayer_lowered;
	s7 =	simm.s32 $_tile_overlayer_lowered  }
0x9c: {  	s22 =	simm.s32 $0x1BFF;
	s21 =	sshll.u32 s7, $0x1;
	s4 =	sadd.s32 s5, s19  }
0x9d: {  	s8 =	simm.s32 $0x0;
	s20 =	sshll.u32 s6, $0x1;
	s6 =	sadd.s32 s21, s4  }
0x9e: {  	[timem:s8], [sflag:s22] =	dma.local [hbm:s6], s20  }
0x9f: {  	_ =	swait.ge [sflag:s22], s20  }
0xa0: {  	s5 =	ssub.s32 $0x0, s20;
	[sflag:s22] =	ssyncset.done $0x0  }
0xa1: {  	[sflag:s22] =	ssyncadd.s32 s5;
	_ =	sdelay $0x1  }
0xa2: {  	s23 =	simm.s32 $0x1B8B  }
0xa3: {  	_ =	swait.ge [sflag:s23], $0x1  }
0xa4: {  	[sflag:s23] =	ssyncset.done $0x0  }
0xa5: {  	s25 =	simm.s32 $0x1B8E;
	s24 =	sld [smem:$0x3FFE];
	[sflag:s23] =	ssyncadd.s32 $0xFFFFFFFF  }
0xa6: {  	s26 =	simm.s32 $execute0_lowered;
	[smem:$0x3FD2] =	sst s25  }
0xa7: {  	s6 =	sshll.u32 s26, $0x1;
	_ =	strace $0x80000046;
	[dreg:$0x1] =	wrdreg $0xFFFFFFFF  }
0xa8: {  	s28 =	simm.s32 $_size_execute0_lowered;
	s4 =	sadd.s32 s4, s6;
	[dreg:$0x0] =	wrdreg $0x0  }
0xa9: {  	s6 =	sshll.u32 s28, $0x1;
	[dreg:$0x2] =	wrdreg s4  }
0xaa: {  	[dreg:$0x3] =	wrdreg s6  }
0xab: {  	[dreg:$0x4] =	wrdreg $0xC0  }
0xac: {  	_ =	task [dreg:s8], $0x5FFFF  }
0xad: {  	[dreg:$0x1] =	wrdreg $0xFFFFFFFF  }
0xae: {  	[dreg:$0x0] =	wrdreg $0x60  }
0xaf: {  	[dreg:$0x2] =	wrdreg s2  }
0xb0: {  	[dreg:$0x3] =	wrdreg s24  }
0xb1: {  	[dreg:$0x4] =	wrdreg s18  }
0xb2: {  	[dreg:$0x5] =	wrdreg $0x5C800  }
0xb3: {  	[dreg:$0x6] =	wrdreg $0x198800  }
0xb4: {  	[dreg:$0x7] =	wrdreg $0x9  }
0xb5: {  	_ =	task.clear_ibuf [dreg:s8], $0x8FFFF;
	_ =	strace $0x90000046  }
0xb6: {  	s29 =	simm.s32 $0x9;
	_ =	strace $0x80000048  }
0xb7: {  	_ =	swait.ge [sflag:s29], $0x1  }
0xb8: {  	[sflag:s29] =	ssyncadd.s32 $0xFFFFFFFF  }
0xb9: {  	_ =	strace $0x90000048  }
0xba: {  	_ =	sfence  }
0xbb: {  	s30 =	sld [smem:$0x0];
	_ =	sdelay $0x2  }
0xbc: {  	s31 =	sshll.u32 s1, $0xD;
	s1 =	sshrl.u32 s1, $0x2  }
0xbd: {  	s3 =	sand.u32 $0x4000, s31;
	s1 =	sadd.s32 s1, s30  }
0xbe: {  	s0 =	sor.u32 s3, s0;
	s1 =	sshll.u32 s1, $0x11  }
0xbf: {  	s0 =	sor.u32 s1, s0  }
0xc0: {  	s0 =	sadd.s32 $0x8F2B, s0  }
0xc1: {  	[sflag:s0] =	ssyncadd.remote.s32 $0x1  }
0xc2: {  	_ =	sfence.sel $0xFFFF  }
0xc3: {  	[dreg:$0x0] =	wrdreg $0xFFFFFFFF;
	(pc) =	sbr.abs _section_cstart, $3  }
0xc4: {  	[dreg:$0x1] =	wrdreg $0xFFFFFFFF  }
0xc5: {  	_ =	task.clear_ibuf [dreg:s8], $0x2FFFF;
	_ =	strace $0x9FFFFFFF  }
0xc6: {  	(tm) =	ssettm $0x7FFFFFFF  }
0xc7: {  	_ =	shalt  }
tec
execute0_lowered:
.L_overlay_start_1:
0x0: {  	(tag) =	ssettag $0x1  }
0x1: {  	s0 =	rddreg [dreg:$0x0]  }
0x2: {  	s7 =	rddreg [dreg:$0x1]  }
0x3: {  	s1 =	srdreg.scid;
	s13 =	rddreg [dreg:$0x2]  }
0x4: {  	s15 =	stileid.u32;
	s2 =	rddreg [dreg:$0x3]  }
0x5: {  	s3 =	rddreg [dreg:$0x4];
	s4 =	smul.u32 $0x2760, s15  }
0x6: {  	s20 =	simm.s32 $0x1;
	s21 =	simm.s32 $0x60;
	s8 =	smul.u32 $0x13C00, s15  }
0x7: {  	s22 =	simm.s32 $0x19AF8;
	s10 =	sand.u32 $0x1, s1;
	s29 =	smul.u32 $0x4F000, s15  }
0x8: {  	s23 =	simm.s32 $0x1CAF8;
	s24 =	simm.s32 $0x2;
	s1 =	smul.u32 $0x27600, s10  }
0x9: {  	s25 =	simm.s32 $0x5B80;
	s26 =	simm.s32 $0x0;
	s11 =	smul.u32 $0x13C000, s10  }
0xa: {  	p0 =	sne.s32 s15, $0x0;
	s16 =	ssub.s32 $0x2, s10;
	s19 =	smul.u32 $0x4F0, s10  }
0xb: {  	s9 =	sshrl.u32 s8, $0x3;
	s30 =	sshrl.u32 s16, $0x1;
	s31 =	sshrl.u32 s29, $0x2  }
0xc: {  	s5 =	sadd.s32 s4, s1;
	s4 =	simm.s32 $0x0;
	s9 =	sadd.s32 s9, s7  }
0xd: {  	s8 =	sadd.s32 s8, s11;
	s16 =	ssub.s32 s16, s30;
	s18 =	sadd.s32 s31, s2  }
0xe: {  	s13 =	sadd.s32 s13, s19;
	s19 =	simm.s32 $0x5C00;
	s6 =	smulhi.u32 $0x2AAAAAB, s5  }
0xf: {  	[smem:$0x7FF] =	sst s4;
	s5 =	sshrl.u32 s5, $0x3;
	s8 =	sshrl.u32 s8, $0x3  }
0x10: {  	_ =	strace $0x80000047;
	s12 =	sadd.s32 s5, s7;
	s5 =	sadd.s32 $0x18A00, s7  }
0x11: {  	s17 =	sadd.s32 s8, s7;
	s8 =	sadd.s32 $0x19000, s9;
	s6 =	sshll.u32 s6, $0x4  }
0x12: {  	s10 =	sadd.s32 $0x1800, s12;
	s12 =	sadd.s32 $0x40800, s17;
	s17 =	simm.s32 $0x2780  }
0x13: {  	s14 =	sadd.s32 s6, s7;
	s6 =	sadd.s32 $0x18800, s7;
	s7 =	sshll.u32 s15, $0x6  }
0x14: {  	s15 =	sshrl.u32 s18, $0x3;
	s18 =	sshrl.u32 @!p0 s3, $0x3;
	s9 =	sor.u32 $0x1C01, s7  }
0x15: {  	s11 =	sadd.s32 $0xB600, s14;
	s14 =	smax.u32 s16, $0x1;
	s16 =	simm.s32 $0x3  }
.LBB2_1:
0x16: {  	[spmem:s15], [sflag:s9] =	dma.local [hbm:s8], $0x2780  }
0x17: {  	[tilespmem:s4], [sflag:$0x3] =	stream.linear.gather [hbm4b:s10+s4], $0x2760, $0x38;
	[tilespmem:$0x1FAF8] =	vst v63  }
0x18: {  	_ =	swait.ge [sflag:s16], $0x2760  }
0x19: {  	[sflag:s16] =	ssyncset.done $0x0  }
0x1a: {  	[sflag:s16] =	ssyncadd.s32 $0xFFFFD8A0  }
0x1b: {  	[tilespmem:s17], [sflag:$0x3] =	stream.linear.gather [hbm4b:s11+s4], $0x3480, $0x38;
	[tilespmem:$0x1FAF8] =	vst v63  }
0x1c: {  	_ =	swait.ge [sflag:s16], $0x3480  }
0x1d: {  	[sflag:s16] =	ssyncset.done $0x0  }
0x1e: {  	s28 =	simm.s32 @!p0 $0x1C03;
	[sflag:s16] =	ssyncadd.s32 $0xFFFFCB80  }
0x1f: {  	[spmem:s18], [sflag:s28] =	dma.local @!p0 [hbm:s5], $0x4F0  }
0x20: {  	s28 =	simm.s32 @!p0 $0x3  }
0x21: {  	_ =	swait.ge @!p0 [sflag:s28], $0x4F0  }
0x22: {  	[sflag:s28] =	ssyncset.done @!p0 $0x0  }
0x23: {  	[sflag:s28] =	ssyncadd.s32 @!p0 $0xFFFFFB10  }
0x24: {  	[tilespmem:s19], [sflag:$0x3] =	stream.linear.gather [hbm4b:s6+s4], $0x80, $0x38;
	[tilespmem:$0x1FAF8] =	vst v63  }
0x25: {  	_ =	swait.ge [sflag:s16], $0x80  }
0x26: {  	[sflag:s16] =	ssyncset.done $0x0  }
0x27: {  	[sflag:s16] =	ssyncadd.s32 $0xFFFFFF80  }
0x28: {  	_ =	swait.ge [sflag:s20], $0x2780  }
0x29: {  	[sflag:s20] =	ssyncset.done $0x0  }
0x2a: {  	[sflag:s20] =	ssyncadd.s32 $0xFFFFD880  }
0x2b: {  	[bflag:$0x0] =	sbarrier.arrive $0xFFFF  }
0x2c: {  	[tilespmem:s22], [sflag:$0x1] =	stream.indirect.gather [hbm4b:s0+s21], $0x80, s4, s21, $0xb8;
	[tilespmem:$0x1FAF8] =	vst v63  }
0x2d: {  	s28 =	simm.s32 $0x60  }
0x2e: {  	[tilespmem:s23], [sflag:$0x2] =	stream.indirect.gather [hbm4b:s0+s21], $0x80, s28, s21, $0xb8;
	[tilespmem:$0x1FAF8] =	vst v63  }
0x2f: {  	_ =	swait.ge [sflag:s20], $0x3000  }
0x30: {  	[sflag:s20] =	ssyncset.done $0x0  }
0x31: {  	s28 =	simm.s32 $0x2780;
	[sflag:s20] =	ssyncadd.s32 $0xFFFFD000  }
0x32: {  	[spmem:s2] =	stream.indirect.scatter.add.f32 [tilespmem:s22], [sflag:$0x3], $0x80, s28, s21, $0xb8;
	[tilespmem:$0x1FAF8] =	vst v63  }
0x33: {  	_ =	swait.ge [sflag:s16], $0x3000  }
0x34: {  	[sflag:s16] =	ssyncset.done $0x0  }
0x35: {  	[sflag:s16] =	ssyncadd.s32 $0xFFFFD000  }
0x36: {  	[spmem:s3] =	stream.indirect.scatter.add.f32 [tilespmem:s19], [sflag:$0x3], $0x1, s28, s21, $0xb8;
	[tilespmem:$0x1FAF8] =	vst v63  }
0x37: {  	_ =	swait.ge [sflag:s16], $0x60  }
0x38: {  	[sflag:s16] =	ssyncset.done $0x0  }
0x39: {  	s28 =	simm.s32 $0xC0;
	[sflag:s16] =	ssyncadd.s32 $0xFFFFFFA0  }
0x3a: {  	[tilespmem:s22], [sflag:$0x1] =	stream.indirect.gather [hbm4b:s0+s21], $0x80, s28, s21, $0xb8;
	[tilespmem:$0x1FAF8] =	vst v63  }
0x3b: {  	_ =	swait.ge [sflag:s24], $0x3000  }
0x3c: {  	[sflag:s24] =	ssyncset.done $0x0  }
0x3d: {  	s28 =	simm.s32 $0x2800;
	[sflag:s24] =	ssyncadd.s32 $0xFFFFD000  }
0x3e: {  	[spmem:s2] =	stream.indirect.scatter.add.f32 [tilespmem:s23], [sflag:$0x3], $0x80, s28, s21, $0xb8;
	[tilespmem:$0x1FAF8] =	vst v63  }
0x3f: {  	_ =	swait.ge [sflag:s16], $0x3000  }
0x40: {  	[sflag:s16] =	ssyncset.done $0x0  }
0x41: {  	[sflag:s16] =	ssyncadd.s32 $0xFFFFD000  }
0x42: {  	[spmem:s3] =	stream.indirect.scatter.add.f32 [tilespmem:s19], [sflag:$0x3], $0x1, s28, s21, $0xb8;
	[tilespmem:$0x1FAF8] =	vst v63  }
0x43: {  	s29 =	simm.s32 $0x400;
	_ =	swait.ge [sflag:s16], $0x60  }
0x44: {  	s30 =	simm.s32 $0x800;
	s28 =	simm.s32 $0x180;
	[sflag:s16] =	ssyncset.done $0x0  }
.LBB2_2:
0x45: {  	p1 =	sne.s32 s30, $0xCC00;
	s31 =	sadd.s32 $0xFFFFFFA0, s28;
	[sflag:s16] =	ssyncadd.s32 $0xFFFFFFA0  }
0x46: {  	[tilespmem:s23], [sflag:$0x2] =	stream.indirect.gather [hbm4b:s0+s21], $0x80, s31, s21, $0xb8;
	[tilespmem:$0x1FAF8] =	vst v63  }
0x47: {  	s31 =	smov.u32 s30;
	s30 =	sadd.s32 $0x400, s30;
	_ =	swait.ge [sflag:s20], $0x3000  }
0x48: {  	s1 =	sshra.s32 s29, $0x2;
	s29 =	smov.u32 s31;
	[sflag:s20] =	ssyncset.done $0x0  }
0x49: {  	s31 =	sadd.s32 $0x2780, s1;
	[sflag:s20] =	ssyncadd.s32 $0xFFFFD000  }
0x4a: {  	[spmem:s2] =	stream.indirect.scatter.add.f32 [tilespmem:s22], [sflag:$0x3], $0x80, s31, s21, $0xb8;
	[tilespmem:$0x1FAF8] =	vst v63  }
0x4b: {  	_ =	swait.ge [sflag:s16], $0x3000  }
0x4c: {  	[sflag:s16] =	ssyncset.done $0x0  }
0x4d: {  	[sflag:s16] =	ssyncadd.s32 $0xFFFFD000  }
0x4e: {  	[spmem:s3] =	stream.indirect.scatter.add.f32 [tilespmem:s19], [sflag:$0x3], $0x1, s31, s21, $0xb8;
	[tilespmem:$0x1FAF8] =	vst v63  }
0x4f: {  	_ =	swait.ge [sflag:s16], $0x60  }
0x50: {  	[sflag:s16] =	ssyncset.done $0x0  }
0x51: {  	[sflag:s16] =	ssyncadd.s32 $0xFFFFFFA0  }
0x52: {  	[tilespmem:s22], [sflag:$0x1] =	stream.indirect.gather [hbm4b:s0+s21], $0x80, s28, s21, $0xb8;
	[tilespmem:$0x1FAF8] =	vst v63  }
0x53: {  	_ =	swait.ge [sflag:s24], $0x3000  }
0x54: {  	[sflag:s24] =	ssyncset.done $0x0  }
0x55: {  	s1 =	sadd.s32 $0x2800, s1;
	[sflag:s24] =	ssyncadd.s32 $0xFFFFD000  }
0x56: {  	[spmem:s2] =	stream.indirect.scatter.add.f32 [tilespmem:s23], [sflag:$0x3], $0x80, s1, s21, $0xb8;
	[tilespmem:$0x1FAF8] =	vst v63  }
0x57: {  	_ =	swait.ge [sflag:s16], $0x3000  }
.Ltmp0:
0x58: {  	[sflag:s16] =	ssyncset.done $0x0;
	(pc) =	sbr.rel @p1 .LBB2_2-.Ltmp0, $4  }
0x59: {  	[sflag:s16] =	ssyncadd.s32 $0xFFFFD000  }
0x5a: {  	[spmem:s3] =	stream.indirect.scatter.add.f32 [tilespmem:s19], [sflag:$0x3], $0x1, s1, s21, $0xb8;
	[tilespmem:$0x1FAF8] =	vst v63  }
0x5b: {  	_ =	swait.ge [sflag:s16], $0x60  }
0x5c: {  	s28 =	sadd.s32 $0xC0, s28;
	[sflag:s16] =	ssyncset.done $0x0  }
0x5d: {  	s1 =	sadd.s32 $0xFFFFFFA0, s28;
	[sflag:s16] =	ssyncadd.s32 $0xFFFFFFA0  }
0x5e: {  	[tilespmem:s23], [sflag:$0x2] =	stream.indirect.gather [hbm4b:s0+s21], $0x80, s1, s21, $0xb8;
	[tilespmem:$0x1FAF8] =	vst v63  }
0x5f: {  	_ =	swait.ge [sflag:s20], $0x3000  }
0x60: {  	s31 =	sshra.s32 s29, $0x2;
	[sflag:s20] =	ssyncset.done $0x0  }
0x61: {  	s29 =	sadd.s32 $0x2780, s31;
	[sflag:s20] =	ssyncadd.s32 $0xFFFFD000  }
0x62: {  	[spmem:s2] =	stream.indirect.scatter.add.f32 [tilespmem:s22], [sflag:$0x3], $0x80, s29, s21, $0xb8;
	[tilespmem:$0x1FAF8] =	vst v63  }
0x63: {  	_ =	swait.ge [sflag:s16], $0x3000  }
0x64: {  	[sflag:s16] =	ssyncset.done $0x0  }
0x65: {  	[sflag:s16] =	ssyncadd.s32 $0xFFFFD000  }
0x66: {  	[spmem:s3] =	stream.indirect.scatter.add.f32 [tilespmem:s19], [sflag:$0x3], $0x1, s29, s21, $0xb8;
	[tilespmem:$0x1FAF8] =	vst v63  }
0x67: {  	_ =	swait.ge [sflag:s16], $0x60  }
0x68: {  	[sflag:s16] =	ssyncset.done $0x0  }
0x69: {  	[sflag:s16] =	ssyncadd.s32 $0xFFFFFFA0  }
0x6a: {  	[tilespmem:s22], [sflag:$0x1] =	stream.indirect.gather [hbm4b:s0+s21], $0x80, s28, s21, $0xb8;
	[tilespmem:$0x1FAF8] =	vst v63  }
0x6b: {  	_ =	swait.ge [sflag:s24], $0x3000  }
0x6c: {  	[sflag:s24] =	ssyncset.done $0x0  }
0x6d: {  	s1 =	sadd.s32 $0x2800, s31;
	[sflag:s24] =	ssyncadd.s32 $0xFFFFD000  }
0x6e: {  	[spmem:s2] =	stream.indirect.scatter.add.f32 [tilespmem:s23], [sflag:$0x3], $0x80, s1, s21, $0xb8;
	[tilespmem:$0x1FAF8] =	vst v63  }
0x6f: {  	_ =	swait.ge [sflag:s16], $0x3000  }
0x70: {  	[sflag:s16] =	ssyncset.done $0x0  }
0x71: {  	[sflag:s16] =	ssyncadd.s32 $0xFFFFD000  }
0x72: {  	[spmem:s3] =	stream.indirect.scatter.add.f32 [tilespmem:s19], [sflag:$0x3], $0x1, s1, s21, $0xb8;
	[tilespmem:$0x1FAF8] =	vst v63  }
0x73: {  	_ =	swait.ge [sflag:s16], $0x60  }
0x74: {  	[sflag:s16] =	ssyncset.done $0x0  }
0x75: {  	[sflag:s16] =	ssyncadd.s32 $0xFFFFFFA0  }
0x76: {  	_ =	swait.ge [sflag:s20], $0x3000  }
0x77: {  	[sflag:s20] =	ssyncset.done $0x0  }
0x78: {  	[sflag:s20] =	ssyncadd.s32 $0xFFFFD000  }
0x79: {  	[spmem:s2] =	stream.indirect.scatter.add.f32 [tilespmem:s22], [sflag:$0x3], $0x80, s25, s21, $0xb8;
	[tilespmem:$0x1FAF8] =	vst v63  }
0x7a: {  	_ =	swait.ge [sflag:s16], $0x3000  }
0x7b: {  	[sflag:s16] =	ssyncset.done $0x0  }
0x7c: {  	[sflag:s16] =	ssyncadd.s32 $0xFFFFD000  }
0x7d: {  	[spmem:s3] =	stream.indirect.scatter.add.f32 [tilespmem:s19], [sflag:$0x3], $0x1, s25, s21, $0xb8;
	[tilespmem:$0x1FAF8] =	vst v63  }
0x7e: {  	_ =	swait.ge [sflag:s16], $0x60  }
0x7f: {  	[sflag:s16] =	ssyncset.done $0x0  }
0x80: {  	[sflag:s16] =	ssyncadd.s32 $0xFFFFFFA0  }
0x81: {  	s1 =	sor.u32 $0x1C03, s7;
	[bflag:$0x0] =	sbarrier.arrive $0xFFFF  }
0x82: {  	[hbm:s12], [sflag:s1] =	dma.local [spmem:s15], $0x2780  }
0x83: {  	_ =	swait.ge [sflag:s16], $0x2780  }
0x84: {  	s26 =	sadd.s32 $0x1, s26;
	[sflag:s16] =	ssyncset.done $0x0  }
0x85: {  	p1 =	sne.s32 s26, s14;
	[sflag:s16] =	ssyncadd.s32 $0xFFFFD880  }
0x86: {  	[hbm:s13], [sflag:s1] =	dma.local @!p0 [spmem:s18], $0x4F0  }
.Ltmp1:
0x87: {  	_ = 	snop;
	(pc) =	sbr.rel @p1 .LBB2_1-.Ltmp1, $4  }
0x88: {  	s1 =	simm.s32 @!p0 $0x3  }
0x89: {  	_ =	swait.ge @!p0 [sflag:s1], $0x4F0  }
0x8a: {  	[sflag:s1] =	ssyncset.done @!p0 $0x0  }
0x8b: {  	[sflag:s1] =	ssyncadd.s32 @!p0 $0xFFFFFB10  }
0x8c: {  	_ =	sfence.sel $0x180000  }
0x8d: {  	[bflag:$0x0] =	sbarrier.arrive $0xFFFF  }
0x8e: {  	_ =	strace $0x90000047  }
0x8f: {  	[bflag:$0x2] =	sbarrier.arrive $0xFFFF  }
0x90: {  	s0 =	rddreg [dreg:$0x5]  }
0x91: {  	s0 =	sadd.s32 @!p0 $0x100000, s0  }
0x92: {  	[sflag:s0] =	ssyncadd.tile.s32 @!p0 $0x1;
	_ =	shalt  }
.Lfunc_end2:
_tile_overlayer_lowered:
.L_overlay_start_2:
0x93: {  	(tag) =	ssettag $0x2  }
0x94: {  	s0 =	rddreg [dreg:$0x0];
	s2 =	stileid.u32  }
0x95: {  	s1 =	rddreg [dreg:$0x1];
	p0 =	sne.s32 s2, $0x0  }
0x96: {  	s3 =	rddreg [dreg:$0x2];
	[bflag:$0x3] =	sbarrier.arrive $0xFFFF;
	s2 =	simm.s32 @!p0 $0x1C03  }
0x97: {  	[timem:s3], [sflag:s2] =	dma.local @!p0 [hbm:s0], s1  }
0x98: {  	s0 =	simm.s32 @!p0 $0x3  }
0x99: {  	_ =	swait.ge @!p0 [sflag:s0], s1  }
0x9a: {  	s1 =	ssub.s32 @!p0 $0x0, s1;
	[sflag:s0] =	ssyncset.done @!p0 $0x0  }
0x9b: {  	[sflag:s0] =	ssyncadd.s32 @!p0 s1  }
0x9c: {  	[bflag:$0x3] =	sbarrier.arrive $0xFFFF  }
0x9d: {  	_ =	shalt  }

// kernel: kernel.9.cloned.1.call-start
scs
__scs_entry_jumppad:
0x0: {  	(pc) =	sbr.rel $0x88, $3  }
0x1: {  	(tag) =	ssettag $0x0;
	lr =	simm.s32 $0x1  }
0x2: {  	[smem:$0x3F9B] =	sst lr;
	_ =	strace $0xD0000000  }
0x3: {  	_ = 	snop  }
0x4: {  	_ = 	snop  }
0x5: {  	_ = 	snop  }
0x6: {  	_ = 	snop  }
0x7: {  	_ = 	snop  }
__scs_overlays_trampoline_lowered:
0x8: {  	[smem:$0x3FAA] =	sst s0  }
0x9: {  	[smem:$0x3FAB] =	sst s1  }
0xa: {  	[smem:$0x3FAC] =	sst s2  }
0xb: {  	[smem:$0x3FAD] =	sst s3  }
0xc: {  	[smem:$0x3FAE] =	sst s4  }
0xd: {  	[smem:$0x3FAF] =	sst s5  }
0xe: {  	[smem:$0x3FB0] =	sst s6  }
0xf: {  	[smem:$0x3FB1] =	sst s7  }
0x10: {  	[smem:$0x3FB2] =	sst s8  }
0x11: {  	[smem:$0x3FB3] =	sst s9;
	s0 =	simm.s32 @!p0 $0x0  }
0x12: {  	s1 =	sld [smem:$0x3F99];
	s0 =	simm.s32 @p0 $0x1  }
0x13: {  	[smem:$0x3FB4] =	sst s0;
	s0 =	simm.s32 @!p1 $0x0  }
0x14: {  	s2 =	sld [smem:$0x3F98];
	s0 =	simm.s32 @p1 $0x1  }
0x15: {  	[smem:$0x3FB5] =	sst s0;
	s0 =	simm.s32 @!p2 $0x0  }
0x16: {  	s3 =	sld [smem:$0x3FDB];
	s0 =	simm.s32 @p2 $0x1  }
0x17: {  	s4 =	simm.s32 $0x1BF5;
	[smem:$0x3FB7] =	sst s0  }
0x18: {  	s0 =	sld [smem:$0x3F9A];
	_ =	swait.ge [sflag:s4], $0x0  }
0x19: {  	s7 =	sld [smem:$0x3F9B]  }
0x1a: {  	s8 =	sadd.s32 $0xFFFFE003, lr  }
0x1b: {  	s9 =	sadd.s32 $0xFFFFFEF7, lr;
	s5 =	simm.s32 $0xFFFFFFFF;
	p2 =	slt.u32 s8, $0xFFFFF086  }
0x1c: {  	p1 =	slt.u32 s9, $0xF7A;
	s5 =	simm.s32 @!p2 $0x0  }
0x1d: {  	s5 =	simm.s32 @p1 $0x1;
	p0 =	seq.s32 s7, s2  }
0x1e: {  	s7 =	smul.u32 @!p0 $0xF7A, s2;
	p2 =	seq.s32 @!p0 s5, $0x0  }
0x1f: {  	s9 =	smul.u32 $0xF7A, s1;
	s8 =	simm.s32 @!p0 $0x1BF5;
	p2 =	por !p2, p0  }
0x20: {  	[sflag:s8] =	ssyncset.s32 @!p0 $0xFFFFF086;
	s6 =	sadd.s32 @!p0 s3, s7;
	s7 =	simm.s32 @!p0 $0x108  }
0x21: {  	s3 =	sadd.s32 s3, s9;
	s6 =	sadd.s32 @!p0 $0x88, s6;
	s7 =	simm.s32 @p2 $0x1082  }
0x22: {  	[simem:s7], [sflag:s8] =	dma.local @!p0 [hbm:s6], $0xF7A  }
0x23: {  	s9 =	sor.u32 $0xD0000000, s2;
	s6 =	simm.s32 $0x108;
	_ =	swait.ge @!p0 [sflag:s8], $0x0  }
0x24: {  	s3 =	sadd.s32 $0x88, s3;
	s6 =	simm.s32 @!p1 $0x1082;
	[sflag:s4] =	ssyncset.s32 $0xFFFFF086  }
0x25: {  	[simem:s6], [sflag:s4] =	dma.local [hbm:s3], $0xF7A  }
0x26: {  	[smem:$0x3F9B] =	sst s1;
	(tag) =	ssettag s2;
	_ =	strace s9  }
0x27: {  	s1 =	sld [smem:$0x3FAB]  }
0x28: {  	s2 =	sld [smem:$0x3FAC]  }
0x29: {  	s4 =	sld [smem:$0x3FAE]  }
0x2a: {  	p0 =	seq.s32 s5, $0x0;
	s5 =	sld [smem:$0x3FAF]  }
0x2b: {  	s6 =	sld [smem:$0x3FB0]  }
0x2c: {  	s7 =	sld [smem:$0x3FB1]  }
0x2d: {  	s3 =	simm.s32 $0x108;
	s8 =	sld [smem:$0x3FB2]  }
0x2e: {  	s3 =	simm.s32 @!p0 $0x1082;
	s9 =	sld [smem:$0x3FB3]  }
0x2f: {  	lr =	sadd.s32 s0, s3;
	s0 =	sld [smem:$0x3FAA]  }
0x30: {  	s3 =	sld [smem:$0x3FAD]  }
0x31: {  	[smem:$0x3FB6] =	sst s10  }
0x32: {  	s10 =	sld [smem:$0x3FB4];
	_ =	sdelay $0x3  }
0x33: {  	p0 =	seq.s32 s10, $0x1;
	s10 =	sld [smem:$0x3FB6];
	_ =	sdelay $0x3  }
0x34: {  	[smem:$0x3FB6] =	sst s10  }
0x35: {  	s10 =	sld [smem:$0x3FB5];
	_ =	sdelay $0x3  }
0x36: {  	p1 =	seq.s32 s10, $0x1;
	s10 =	sld [smem:$0x3FB6];
	_ =	sdelay $0x3  }
0x37: {  	[smem:$0x3FB6] =	sst s10  }
0x38: {  	s10 =	sld [smem:$0x3FB7]  }
0x39: {  	_ = 	snop;
	(pc) =	sbr.ind lr, $3  }
0x3a: {  	_ = 	snop  }
0x3b: {  	_ = 	snop  }
0x3c: {  	p2 =	seq.s32 s10, $0x1;
	s10 =	sld [smem:$0x3FB6]  }
0x3d: {  	_ =	shalt  }
0x3e: {  	_ =	shalt  }
0x3f: {  	_ =	shalt  }
0x40: {  	_ =	shalt  }
0x41: {  	_ =	shalt  }
0x42: {  	_ =	shalt  }
0x43: {  	_ =	shalt  }
0x44: {  	_ =	shalt  }
0x45: {  	_ =	shalt  }
0x46: {  	_ =	shalt  }
0x47: {  	_ =	shalt  }
0x48: {  	_ =	shalt  }
0x49: {  	_ =	shalt  }
0x4a: {  	_ =	shalt  }
0x4b: {  	_ =	shalt  }
0x4c: {  	_ =	shalt  }
0x4d: {  	_ =	shalt  }
0x4e: {  	_ =	shalt  }
0x4f: {  	_ =	shalt  }
0x50: {  	_ =	shalt  }
0x51: {  	_ =	shalt  }
0x52: {  	_ =	shalt  }
0x53: {  	_ =	shalt  }
0x54: {  	_ =	shalt  }
0x55: {  	_ =	shalt  }
0x56: {  	_ =	shalt  }
0x57: {  	_ =	shalt  }
0x58: {  	_ =	shalt  }
0x59: {  	_ =	shalt  }
0x5a: {  	_ =	shalt  }
0x5b: {  	_ =	shalt  }
0x5c: {  	_ =	shalt  }
0x5d: {  	_ =	shalt  }
0x5e: {  	_ =	shalt  }
0x5f: {  	_ =	shalt  }
0x60: {  	_ =	shalt  }
0x61: {  	_ =	shalt  }
0x62: {  	_ =	shalt  }
0x63: {  	_ =	shalt  }
0x64: {  	_ =	shalt  }
0x65: {  	_ =	shalt  }
0x66: {  	_ =	shalt  }
0x67: {  	_ =	shalt  }
0x68: {  	_ =	shalt  }
0x69: {  	_ =	shalt  }
0x6a: {  	_ =	shalt  }
0x6b: {  	_ =	shalt  }
0x6c: {  	_ =	shalt  }
0x6d: {  	_ =	shalt  }
0x6e: {  	_ =	shalt  }
0x6f: {  	_ =	shalt  }
0x70: {  	_ =	shalt  }
0x71: {  	_ =	shalt  }
0x72: {  	_ =	shalt  }
0x73: {  	_ =	shalt  }
0x74: {  	_ =	shalt  }
0x75: {  	_ =	shalt  }
0x76: {  	_ =	shalt  }
0x77: {  	_ =	shalt  }
0x78: {  	_ =	shalt  }
0x79: {  	_ =	shalt  }
0x7a: {  	_ =	shalt  }
0x7b: {  	_ =	shalt  }
0x7c: {  	_ =	shalt  }
0x7d: {  	_ =	shalt  }
0x7e: {  	_ =	shalt  }
0x7f: {  	_ =	shalt  }
0x80: {  	_ =	shalt  }
0x81: {  	_ =	shalt  }
0x82: {  	_ =	shalt  }
0x83: {  	_ =	shalt  }
0x84: {  	_ =	shalt  }
0x85: {  	_ =	shalt  }
0x86: {  	_ =	shalt  }
0x87: {  	_ =	shalt  }
.Lfunc_end0:
.L_simem_size_0:
called_computation.1_lowered:
.L_overlay_start_0:
0x88: {  	s2 =	sld [smem:$0x3FD9]  }
0x89: {  	s3 =	sld [smem:$0x3FFE];
	_ =	sdelay $0x1  }
0x8a: {  	s1 =	srdreg.scid  }
0x8b: {  	s0 =	sand.u32 $0x1, s1  }
0x8c: {  	s17 =	sshll.u32 s0, $0xA;
	s2 =	sadd.s32 s3, s2  }
0x8d: {  	s2 =	sadd.s32 s2, s17  }
0x8e: {  	[smem:$0x3FC2] =	sst s2  }
0x8f: {  	_ = 	snop  }
0x90: {  	s2 =	sld [smem:$0x3FD0];
	(tm) =	ssettm $0x1  }
0x91: {  	s18 =	sld [smem:$0x3FFB];
	_ =	sdelay $0x3  }
0x92: {  	_ =	strace s18  }
0x93: {  	s3 =	sld [smem:$0x3FFC];
	_ =	sdelay $0x3  }
0x94: {  	_ =	strace s3  }
0x95: {  	s3 =	sld [smem:$0x3FFD];
	_ =	sdelay $0x3  }
0x96: {  	_ =	strace s3  }
0x97: {  	_ =	strace $0x8FFFFFFF  }
0x98: {  	s19 =	sld [smem:$0x3FDB];
	_ =	sdelay $0x1  }
0x99: {  	s4 =	simm.s32 $_scs_section_size  }
0x9a: {  	s5 =	simm.s32 $_size__tile_overlayer_lowered;
	s6 =	simm.s32 $_tile_overlayer_lowered  }
0x9b: {  	s22 =	simm.s32 $0x1BFF;
	s21 =	sshll.u32 s6, $0x1;
	s3 =	sadd.s32 s4, s19  }
0x9c: {  	s7 =	simm.s32 $0x0;
	s20 =	sshll.u32 s5, $0x1;
	s5 =	sadd.s32 s21, s3  }
0x9d: {  	[timem:s7], [sflag:s22] =	dma.local [hbm:s5], s20  }
0x9e: {  	_ =	swait.ge [sflag:s22], s20  }
0x9f: {  	s4 =	ssub.s32 $0x0, s20;
	[sflag:s22] =	ssyncset.done $0x0  }
0xa0: {  	[sflag:s22] =	ssyncadd.s32 s4;
	_ =	sdelay $0x1  }
0xa1: {  	s23 =	simm.s32 $0x1B8B  }
0xa2: {  	_ =	swait.ge [sflag:s23], $0x1  }
0xa3: {  	[sflag:s23] =	ssyncset.done $0x0  }
0xa4: {  	s25 =	simm.s32 $0x1B8E;
	s24 =	sld [smem:$0x3FFE];
	[sflag:s23] =	ssyncadd.s32 $0xFFFFFFFF  }
0xa5: {  	s26 =	simm.s32 $execute0_lowered;
	[smem:$0x3FD2] =	sst s25  }
0xa6: {  	s5 =	sshll.u32 s26, $0x1;
	_ =	strace $0x80000049;
	[dreg:$0x1] =	wrdreg $0xFFFFFFFF  }
0xa7: {  	s28 =	simm.s32 $_size_execute0_lowered;
	s3 =	sadd.s32 s3, s5;
	[dreg:$0x0] =	wrdreg $0x0  }
0xa8: {  	s5 =	sshll.u32 s28, $0x1;
	[dreg:$0x2] =	wrdreg s3  }
0xa9: {  	[dreg:$0x3] =	wrdreg s5  }
0xaa: {  	[dreg:$0x4] =	wrdreg $0xC0  }
0xab: {  	_ =	task [dreg:s7], $0x5FFFF  }
0xac: {  	[dreg:$0x1] =	wrdreg $0xFFFFFFFF  }
0xad: {  	[dreg:$0x0] =	wrdreg $0x60  }
0xae: {  	[dreg:$0x2] =	wrdreg s2  }
0xaf: {  	[dreg:$0x3] =	wrdreg s24  }
0xb0: {  	[dreg:$0x4] =	wrdreg $0x5C000  }
0xb1: {  	[dreg:$0x5] =	wrdreg $0x9  }
0xb2: {  	_ =	task.clear_ibuf [dreg:s7], $0x6FFFF;
	_ =	strace $0x90000049  }
0xb3: {  	s29 =	simm.s32 $0x9;
	_ =	strace $0x8000004B  }
0xb4: {  	_ =	swait.ge [sflag:s29], $0x1  }
0xb5: {  	[sflag:s29] =	ssyncadd.s32 $0xFFFFFFFF  }
0xb6: {  	_ =	strace $0x9000004B  }
0xb7: {  	_ =	sfence  }
0xb8: {  	s30 =	sld [smem:$0x0];
	_ =	sdelay $0x2  }
0xb9: {  	s31 =	sshll.u32 s1, $0xD;
	s1 =	sshrl.u32 s1, $0x2  }
0xba: {  	s3 =	sand.u32 $0x4000, s31;
	s1 =	sadd.s32 s1, s30  }
0xbb: {  	s0 =	sor.u32 s3, s0;
	s1 =	sshll.u32 s1, $0x11  }
0xbc: {  	s0 =	sor.u32 s1, s0  }
0xbd: {  	s0 =	sadd.s32 $0x8F2B, s0  }
0xbe: {  	[sflag:s0] =	ssyncadd.remote.s32 $0x1  }
0xbf: {  	_ =	sfence.sel $0xFFFF  }
0xc0: {  	[dreg:$0x0] =	wrdreg $0xFFFFFFFF;
	(pc) =	sbr.abs _section_cstart, $3  }
0xc1: {  	[dreg:$0x1] =	wrdreg $0xFFFFFFFF  }
0xc2: {  	_ =	task.clear_ibuf [dreg:s7], $0x2FFFF;
	_ =	strace $0x9FFFFFFF  }
0xc3: {  	(tm) =	ssettm $0x7FFFFFFF  }
tec
execute0_lowered:
.L_overlay_start_1:
0x0: {  	(tag) =	ssettag $0x1  }
0x1: {  	s2 =	rddreg [dreg:$0x0]  }
0x2: {  	s0 =	srdreg.scid;
	s6 =	rddreg [dreg:$0x1];
	s4 =	simm.s32 $0x0  }
0x3: {  	s14 =	simm.s32 $0x1;
	s15 =	simm.s32 $0x60;
	s5 =	sand.u32 $0x1, s0  }
0x4: {  	s16 =	simm.s32 $0x19800;
	s0 =	stileid.u32;
	s1 =	smul.u32 $0x27600, s5  }
0x5: {  	s17 =	simm.s32 $0x1C800;
	s18 =	simm.s32 $0x2;
	s3 =	smul.u32 $0x2760, s0  }
0x6: {  	s19 =	simm.s32 $0x5B80;
	s21 =	simm.s32 $0x0;
	s9 =	smul.u32 $0x13C00, s0  }
0x7: {  	[smem:$0x7FF] =	sst s4;
	s10 =	smul.u32 $0x13C000, s5;
	s5 =	ssub.s32 $0x2, s5  }
0x8: {  	s29 =	smul.u32 $0x4F000, s0;
	s7 =	sadd.s32 s3, s1;
	s3 =	rddreg [dreg:$0x2]  }
0x9: {  	s20 =	sshll.u32 s0, $0x6;
	s30 =	sshrl.u32 s5, $0x1;
	s1 =	rddreg [dreg:$0x3]  }
0xa: {  	_ =	strace $0x8000004A;
	s11 =	sshrl.u32 s9, $0x3;
	s9 =	sadd.s32 s9, s10  }
0xb: {  	s12 =	ssub.s32 s5, s30;
	s31 =	sshrl.u32 s29, $0x2;
	s8 =	smulhi.u32 $0x2AAAAAB, s7  }
0xc: {  	s7 =	sshrl.u32 s7, $0x3;
	s9 =	sshrl.u32 s9, $0x3;
	s11 =	sadd.s32 s11, s6  }
0xd: {  	s13 =	sadd.s32 s31, s3;
	s10 =	smax.u32 s12, $0x1;
	s12 =	simm.s32 $0x3  }
0xe: {  	s7 =	sadd.s32 s7, s6;
	s9 =	sadd.s32 s9, s6;
	s5 =	sadd.s32 $0x19000, s11  }
0xf: {  	s11 =	sshrl.u32 s13, $0x3;
	s13 =	simm.s32 $0x2780;
	s8 =	sshll.u32 s8, $0x4  }
0x10: {  	s7 =	sadd.s32 $0x1800, s7;
	s9 =	sadd.s32 $0x40800, s9;
	s8 =	sadd.s32 s8, s6  }
0x11: {  	s6 =	sor.u32 $0x1C01, s20;
	s20 =	sor.u32 $0x1C03, s20;
	s8 =	sadd.s32 $0xB600, s8  }
.LBB2_1:
0x12: {  	[spmem:s11], [sflag:s6] =	dma.local [hbm:s5], $0x2780  }
0x13: {  	[tilespmem:s4], [sflag:$0x3] =	stream.linear.gather [hbm4b:s7+s4], $0x2760, $0x38;
	[tilespmem:$0x1F800] =	vst v63  }
0x14: {  	_ =	swait.ge [sflag:s12], $0x2760  }
0x15: {  	[sflag:s12] =	ssyncset.done $0x0  }
0x16: {  	[sflag:s12] =	ssyncadd.s32 $0xFFFFD8A0  }
0x17: {  	[tilespmem:s13], [sflag:$0x3] =	stream.linear.gather [hbm4b:s8+s4], $0x3480, $0x38;
	[tilespmem:$0x1F800] =	vst v63  }
0x18: {  	_ =	swait.ge [sflag:s12], $0x3480  }
0x19: {  	[sflag:s12] =	ssyncset.done $0x0  }
0x1a: {  	[sflag:s12] =	ssyncadd.s32 $0xFFFFCB80  }
0x1b: {  	_ =	swait.ge [sflag:s14], $0x2780  }
0x1c: {  	[sflag:s14] =	ssyncset.done $0x0  }
0x1d: {  	[sflag:s14] =	ssyncadd.s32 $0xFFFFD880  }
0x1e: {  	[bflag:$0x0] =	sbarrier.arrive $0xFFFF  }
0x1f: {  	[tilespmem:s16], [sflag:$0x1] =	stream.indirect.gather [hbm4b:s2+s15], $0x80, s4, s15, $0xb8;
	[tilespmem:$0x1F800] =	vst v63  }
0x20: {  	s22 =	simm.s32 $0x60  }
0x21: {  	[tilespmem:s17], [sflag:$0x2] =	stream.indirect.gather [hbm4b:s2+s15], $0x80, s22, s15, $0xb8;
	[tilespmem:$0x1F800] =	vst v63  }
0x22: {  	_ =	swait.ge [sflag:s14], $0x3000  }
0x23: {  	[sflag:s14] =	ssyncset.done $0x0  }
0x24: {  	s29 =	simm.s32 $0x2780;
	[sflag:s14] =	ssyncadd.s32 $0xFFFFD000  }
0x25: {  	[spmem:s3] =	stream.indirect.scatter.add.f32 [tilespmem:s16], [sflag:$0x3], $0x80, s29, s15, $0xb8;
	[tilespmem:$0x1F800] =	vst v63  }
0x26: {  	_ =	swait.ge [sflag:s12], $0x3000  }
0x27: {  	[sflag:s12] =	ssyncset.done $0x0  }
0x28: {  	s30 =	simm.s32 $0xC0;
	[sflag:s12] =	ssyncadd.s32 $0xFFFFD000  }
0x29: {  	[tilespmem:s16], [sflag:$0x1] =	stream.indirect.gather [hbm4b:s2+s15], $0x80, s30, s15, $0xb8;
	[tilespmem:$0x1F800] =	vst v63  }
0x2a: {  	_ =	swait.ge [sflag:s18], $0x3000  }
0x2b: {  	[sflag:s18] =	ssyncset.done $0x0  }
0x2c: {  	s31 =	simm.s32 $0x2800;
	[sflag:s18] =	ssyncadd.s32 $0xFFFFD000  }
0x2d: {  	[spmem:s3] =	stream.indirect.scatter.add.f32 [tilespmem:s17], [sflag:$0x3], $0x80, s31, s15, $0xb8;
	[tilespmem:$0x1F800] =	vst v63  }
0x2e: {  	s23 =	simm.s32 $0x400;
	_ =	swait.ge [sflag:s12], $0x3000  }
0x2f: {  	s24 =	simm.s32 $0x800;
	s22 =	simm.s32 $0x180;
	[sflag:s12] =	ssyncset.done $0x0  }
.LBB2_2:
0x30: {  	p0 =	sne.s32 s24, $0xCC00;
	s25 =	sadd.s32 $0xFFFFFFA0, s22;
	[sflag:s12] =	ssyncadd.s32 $0xFFFFD000  }
0x31: {  	[tilespmem:s17], [sflag:$0x2] =	stream.indirect.gather [hbm4b:s2+s15], $0x80, s25, s15, $0xb8;
	[tilespmem:$0x1F800] =	vst v63  }
0x32: {  	s25 =	smov.u32 s24;
	s24 =	sadd.s32 $0x400, s24;
	_ =	swait.ge [sflag:s14], $0x3000  }
0x33: {  	s26 =	sshra.s32 s23, $0x2;
	s23 =	smov.u32 s25;
	[sflag:s14] =	ssyncset.done $0x0  }
0x34: {  	s25 =	sadd.s32 $0x2780, s26;
	[sflag:s14] =	ssyncadd.s32 $0xFFFFD000  }
0x35: {  	[spmem:s3] =	stream.indirect.scatter.add.f32 [tilespmem:s16], [sflag:$0x3], $0x80, s25, s15, $0xb8;
	[tilespmem:$0x1F800] =	vst v63  }
0x36: {  	_ =	swait.ge [sflag:s12], $0x3000  }
0x37: {  	[sflag:s12] =	ssyncset.done $0x0  }
0x38: {  	[sflag:s12] =	ssyncadd.s32 $0xFFFFD000  }
0x39: {  	[tilespmem:s16], [sflag:$0x1] =	stream.indirect.gather [hbm4b:s2+s15], $0x80, s22, s15, $0xb8;
	[tilespmem:$0x1F800] =	vst v63  }
0x3a: {  	_ =	swait.ge [sflag:s18], $0x3000  }
.Ltmp0:
0x3b: {  	[sflag:s18] =	ssyncset.done $0x0;
	(pc) =	sbr.rel @p0 .LBB2_2-.Ltmp0, $4  }
0x3c: {  	s25 =	sadd.s32 $0x2800, s26;
	[sflag:s18] =	ssyncadd.s32 $0xFFFFD000  }
0x3d: {  	[spmem:s3] =	stream.indirect.scatter.add.f32 [tilespmem:s17], [sflag:$0x3], $0x80, s25, s15, $0xb8;
	[tilespmem:$0x1F800] =	vst v63  }
0x3e: {  	_ =	swait.ge [sflag:s12], $0x3000  }
0x3f: {  	s22 =	sadd.s32 $0xC0, s22;
	[sflag:s12] =	ssyncset.done $0x0  }
0x40: {  	s24 =	sadd.s32 $0xFFFFFFA0, s22;
	[sflag:s12] =	ssyncadd.s32 $0xFFFFD000  }
0x41: {  	[tilespmem:s17], [sflag:$0x2] =	stream.indirect.gather [hbm4b:s2+s15], $0x80, s24, s15, $0xb8;
	[tilespmem:$0x1F800] =	vst v63  }
0x42: {  	_ =	swait.ge [sflag:s14], $0x3000  }
0x43: {  	s23 =	sshra.s32 s23, $0x2;
	[sflag:s14] =	ssyncset.done $0x0  }
0x44: {  	s30 =	sadd.s32 $0x2780, s23;
	[sflag:s14] =	ssyncadd.s32 $0xFFFFD000  }
0x45: {  	[spmem:s3] =	stream.indirect.scatter.add.f32 [tilespmem:s16], [sflag:$0x3], $0x80, s30, s15, $0xb8;
	[tilespmem:$0x1F800] =	vst v63  }
0x46: {  	_ =	swait.ge [sflag:s12], $0x3000  }
0x47: {  	[sflag:s12] =	ssyncset.done $0x0  }
0x48: {  	[sflag:s12] =	ssyncadd.s32 $0xFFFFD000  }
0x49: {  	[tilespmem:s16], [sflag:$0x1] =	stream.indirect.gather [hbm4b:s2+s15], $0x80, s22, s15, $0xb8;
	[tilespmem:$0x1F800] =	vst v63  }
0x4a: {  	_ =	swait.ge [sflag:s18], $0x3000  }
0x4b: {  	[sflag:s18] =	ssyncset.done $0x0  }
0x4c: {  	s31 =	sadd.s32 $0x2800, s23;
	[sflag:s18] =	ssyncadd.s32 $0xFFFFD000  }
0x4d: {  	[spmem:s3] =	stream.indirect.scatter.add.f32 [tilespmem:s17], [sflag:$0x3], $0x80, s31, s15, $0xb8;
	[tilespmem:$0x1F800] =	vst v63  }
0x4e: {  	_ =	swait.ge [sflag:s12], $0x3000  }
0x4f: {  	[sflag:s12] =	ssyncset.done $0x0  }
0x50: {  	[sflag:s12] =	ssyncadd.s32 $0xFFFFD000  }
0x51: {  	_ =	swait.ge [sflag:s14], $0x3000  }
0x52: {  	[sflag:s14] =	ssyncset.done $0x0  }
0x53: {  	[sflag:s14] =	ssyncadd.s32 $0xFFFFD000  }
0x54: {  	[spmem:s3] =	stream.indirect.scatter.add.f32 [tilespmem:s16], [sflag:$0x3], $0x80, s19, s15, $0xb8;
	[tilespmem:$0x1F800] =	vst v63  }
0x55: {  	_ =	swait.ge [sflag:s12], $0x3000  }
0x56: {  	s21 =	sadd.s32 $0x1, s21;
	[sflag:s12] =	ssyncset.done $0x0  }
0x57: {  	p0 =	sne.s32 s21, s10;
	[sflag:s12] =	ssyncadd.s32 $0xFFFFD000  }
.Ltmp1:
0x58: {  	[bflag:$0x0] =	sbarrier.arrive $0xFFFF;
	(pc) =	sbr.rel @p0 .LBB2_1-.Ltmp1, $4  }
0x59: {  	[hbm:s9], [sflag:s20] =	dma.local [spmem:s11], $0x2780  }
0x5a: {  	_ =	swait.ge [sflag:s12], $0x2780  }
0x5b: {  	[sflag:s12] =	ssyncset.done $0x0  }
0x5c: {  	[sflag:s12] =	ssyncadd.s32 $0xFFFFD880  }
0x5d: {  	_ =	sfence.sel $0x180000  }
0x5e: {  	[bflag:$0x0] =	sbarrier.arrive $0xFFFF  }
0x5f: {  	p0 =	sne.s32 s0, $0x0;
	_ =	strace $0x9000004A  }
0x60: {  	s0 =	sadd.s32 @!p0 $0x100000, s1;
	[bflag:$0x2] =	sbarrier.arrive $0xFFFF  }
0x61: {  	[sflag:s0] =	ssyncadd.tile.s32 @!p0 $0x1;
	_ =	shalt  }
.Lfunc_end2:
_tile_overlayer_lowered:
.L_overlay_start_2:
0x62: {  	(tag) =	ssettag $0x2  }
0x63: {  	s0 =	rddreg [dreg:$0x0];
	s2 =	stileid.u32  }
0x64: {  	s1 =	rddreg [dreg:$0x1];
	p0 =	sne.s32 s2, $0x0  }
0x65: {  	s3 =	rddreg [dreg:$0x2];
	[bflag:$0x3] =	sbarrier.arrive $0xFFFF;
	s2 =	simm.s32 @!p0 $0x1C03  }
0x66: {  	[timem:s3], [sflag:s2] =	dma.local @!p0 [hbm:s0], s1  }
0x67: {  	s0 =	simm.s32 @!p0 $0x3  }
0x68: {  	_ =	swait.ge @!p0 [sflag:s0], s1  }
0x69: {  	s1 =	ssub.s32 @!p0 $0x0, s1;
	[sflag:s0] =	ssyncset.done @!p0 $0x0  }
0x6a: {  	[sflag:s0] =	ssyncadd.s32 @!p0 s1  }
0x6b: {  	[bflag:$0x3] =	sbarrier.arrive $0xFFFF  }
0x6c: {  	_ =	shalt  }

</sc_bundles>
